<compile_context>
chip_gen: v7x
topology: tpu7x:2x2x1
jax: 0.10.2.dev20260603
libtpu: 0.0.44.dev20260713+nightly
codegen_flags: <defaults>
</compile_context>

<pallas_src>
import jax
import jax.numpy as jnp
import numpy as np
from jax import lax
from jax.experimental import pallas as pl
from jax.experimental.pallas import tpu as pltpu
from jax.experimental.pallas import tpu_sc as plsc

K = 256
NCORES = 2
NSUB = 16
NW = NCORES * NSUB
ROWS = 64
ROWS_PER_W = ROWS // NW
ROW_ELEMS = 32 * 32768
CHUNK = 16384
NCHUNK = ROW_ELEMS // CHUNK
SUBVEC = 512
SUBS = CHUNK // (SUBVEC * 16)
UNROLL = 16
SUBCAP = 768
LTRIG = 255

_SIGN = np.uint32(0x80000000)


def _keys16(xv):
    b = lax.bitcast_convert_type(xv, jnp.uint32)
    return jnp.where(b >= _SIGN, ~b, b | _SIGN)


def _unkey16(kv):
    b = jnp.where(kv >= _SIGN, kv & np.uint32(0x7FFFFFFF), ~kv)
    return lax.bitcast_convert_type(b, jnp.float32)


def _mk_kernel():
    mesh = plsc.VectorSubcoreMesh(
        core_axis_name="c", subcore_axis_name="s", num_cores=NCORES)

    def body(x_hbm, out_hbm, chunks, buf, keybuf, outv, d_ref, tkey_ref, sems):
        cid = lax.axis_index("c")
        sid = lax.axis_index("s")
        wid = sid * NCORES + cid
        lanes = lax.iota(jnp.int32, 16)

        def fill_keys(nvec, ptr_vec):
            def kb(j, _):
                xv = buf[pl.ds(j * 16, 16)]
                valid = j < ptr_vec
                kv = jnp.where(valid, _keys16(xv), np.uint32(0))
                keybuf[pl.ds(j * 16, 16)] = kv
                return 0
            lax.fori_loop(0, nvec, kb, 0)

        def kth_key(nvec):
            d = d_ref[0]
            tprev = tkey_ref[0]

            def bit_step(b, acc):
                t = acc | (np.uint32(1) << (np.uint32(31) - b.astype(jnp.uint32)))

                def cstep(j, cv):
                    kv = keybuf[pl.ds(j * 16, 16)]
                    return cv + (kv >= t).astype(jnp.int32)
                cv = lax.fori_loop(0, nvec, cstep, jnp.zeros((16,), jnp.int32))
                cnt = jnp.sum(cv) + jnp.where(tprev >= t, d, 0)
                return jnp.where(cnt >= K, t, acc)
            return lax.fori_loop(0, 32, bit_step, jnp.zeros((), jnp.uint32))

        def compact(sptr, tv):
            ptr_vec = lax.shift_right_logical(sptr, 4)
            nvec = jnp.max(ptr_vec)
            fill_keys(nvec, ptr_vec)
            tkey = kth_key(nvec)
            new_tv = _unkey16(jnp.full((16,), tkey, jnp.uint32))

            def cstep(j, newsp):
                kv = keybuf[pl.ds(j * 16, 16)]
                xv = buf[pl.ds(j * 16, 16)]
                m = kv > tkey
                plsc.store_scatter(buf, [newsp], xv, mask=m)
                return newsp + jnp.where(m, 16, 0)
            newsp = lax.fori_loop(0, nvec, cstep, lanes)
            d_ref[0] = K - jnp.sum(lax.shift_right_logical(newsp, 4))
            tkey_ref[0] = tkey
            return newsp, new_tv

        def maybe_compact(sptr, tv):
            return lax.cond(jnp.max(sptr) > LTRIG * 16 + 16, compact,
                            lambda p, t: (p, t), sptr, tv)

        for r in range(ROWS_PER_W):
            row = wid * ROWS_PER_W + r
            d_ref[0] = 0
            tkey_ref[0] = jnp.zeros((), jnp.uint32)
            state = (lanes, jnp.full((16,), -np.inf, jnp.float32))

            pltpu.make_async_copy(
                x_hbm.at[row * NCHUNK],
                chunks.at[pl.ds(0, CHUNK)], sems.at[0]).start()

            def chunk_step(i, state):
                slot = (i % 2) * CHUNK
                nslot = ((i + 1) % 2) * CHUNK

                @pl.when(i + 1 < NCHUNK)
                def _():
                    pltpu.make_async_copy(
                        x_hbm.at[row * NCHUNK + i + 1],
                        chunks.at[pl.ds(nslot, CHUNK)],
                        sems.at[(i + 1) % 2]).start()
                pltpu.make_async_copy(
                    x_hbm.at[row * NCHUNK + i],
                    chunks.at[pl.ds(slot, CHUNK)], sems.at[i % 2]).wait()
                chunk = chunks.at[pl.ds(slot, CHUNK)]

                def sub_step(s, state):
                    @plsc.parallel_loop(0, SUBVEC, 1, unroll=UNROLL,
                                        carry=state)
                    def vstep(v, st):
                        sptr, tv = st
                        xv = chunk[pl.ds((s * SUBVEC + v) * 16, 16)]
                        m = xv > tv
                        plsc.store_scatter(buf, [sptr], xv, mask=m)
                        return (sptr + jnp.where(m, 16, 0), tv)
                    return maybe_compact(*vstep)
                return lax.fori_loop(0, SUBS, sub_step, state)
            sptr, tv = lax.fori_loop(0, NCHUNK, chunk_step, state)
            ptr_vec = lax.shift_right_logical(sptr, 4)

            nvec = jnp.max(ptr_vec)
            fill_keys(nvec, ptr_vec)
            tkey = kth_key(nvec)
            tf = jnp.max(_unkey16(jnp.full((16,), tkey, jnp.uint32)))

            def sstep(j, cs):
                cv, sv = cs
                kv = keybuf[pl.ds(j * 16, 16)]
                xv = buf[pl.ds(j * 16, 16)]
                m = kv > tkey
                return (cv + m.astype(jnp.int32), sv + jnp.where(m, xv, 0.0))
            cv, sv = lax.fori_loop(0, nvec, sstep,
                                   (jnp.zeros((16,), jnp.int32),
                                    jnp.zeros((16,), jnp.float32)))
            c = jnp.sum(cv)
            s = jnp.sum(sv)
            mean = (s + (K - c).astype(jnp.float32) * tf) * np.float32(1.0 / K)
            if r == 0:
                outv[...] = jnp.where(lanes == 0, mean, 0.0)
            else:
                outv[...] = jnp.where(lanes == r, mean, outv[...])
        pltpu.sync_copy(outv, out_hbm.at[wid])

    return pl.kernel(
        body,
        mesh=mesh,
        compiler_params=pltpu.CompilerParams(needs_layout_passes=False),
        out_type=jax.ShapeDtypeStruct((NW, 16), jnp.float32),
        scratch_types=[
            pltpu.VMEM((2 * CHUNK,), jnp.float32),
            pltpu.VMEM((SUBCAP * 16,), jnp.float32),
            pltpu.VMEM((SUBCAP * 16,), jnp.uint32),
            pltpu.VMEM((16,), jnp.float32),
            pltpu.SMEM((1,), jnp.int32),
            pltpu.SMEM((1,), jnp.uint32),
            pltpu.SemaphoreType.DMA((2,)),
        ],
    )


_kernel_call_cache = []


def kernel(x):
    if not _kernel_call_cache:
        _kernel_call_cache.append(_mk_kernel())
    xf = x.reshape(ROWS * NCHUNK, CHUNK)
    out = _kernel_call_cache[0](xf)
    return out[:, :ROWS_PER_W].reshape(ROWS)

# --- scband reference (transcript-rebuilt; emitter-appended) ---
"""Pipeline reference for scband-top-kpooling-65730179498499 (READ-ONLY COPY).

The authoritative reference and input builder live on the scoring server;
editing this copy changes nothing except your own understanding.
"""

import jax, jax.numpy as jnp
import numpy as np

K = 256

def setup_inputs(seed: int = 0) -> dict:
    key = jax.random.key(seed)
    x = jax.random.normal(key, (64, 32, 32768), dtype=jnp.float32)
    return {"x": x}

def reference(x):
    batch_size = x.shape[0]
    dims = x.shape[1:]
    num_elements = dims[-1] * dims[-2]
    x_flat = x.reshape((batch_size,) + tuple(dims[:-2]) + (-1,))
    k = min(K, num_elements)
    topk_vals, _ = jax.lax.top_k(x_flat, k)
    output = jnp.mean(topk_vals, axis=-1)
    return output

if __name__ == "__main__":
    import jax
    _d = setup_inputs()
    print(jax.jit(kernel)(*tuple(_d.values())))

</pallas_src>

<mosaic_0001>
#map = affine_map<(d0, d1) -> (0, 0)>
module attributes {stable_mosaic.version = 14 : i64} {
  func.func @body(%arg0: i32, %arg1: i32, %arg2: memref<4096x16384xf32, #tpu.memory_space<hbm>>, %arg3: memref<32x16xf32, #tpu.memory_space<hbm>>, %arg4: memref<32768xf32, #tpu.memory_space<vmem>>, %arg5: memref<12288xf32, #tpu.memory_space<vmem>>, %arg6: memref<12288xi32, #tpu.memory_space<vmem>>, %arg7: memref<16xf32, #tpu.memory_space<vmem>>, %arg8: memref<1xi32, #tpu.memory_space<smem>>, %arg9: memref<1xi32, #tpu.memory_space<smem>>, %arg10: memref<2x!tpu.dma_semaphore, #tpu.memory_space<semaphore_mem>>) attributes {dimension_semantics = [#tpu.dimension_semantics<core_parallel>, #tpu.dimension_semantics<subcore_parallel>], iteration_bounds = array<i64: 2, 16>, scalar_prefetch = 0 : i64, scratch_operands = 7 : i64, tpu.core_type = #tpu.core_type<sc_vector_subcore>, window_params = [{transform_indices = #map}, {transform_indices = #map}]} {
    %mul3A = arith.constant 2 : i32
    %mul3A_0 = arith.muli %arg1, %mul3A : i32
    %add3A = arith.addi %mul3A_0, %arg0 : i32
    %iota3A = tpu.iota {dimensions = array<i32: 0>} : vector<16xi32>
    %mul3A_1 = arith.constant 2 : i32
    %mul3A_2 = arith.muli %add3A, %mul3A_1 : i32
    %add3A_3 = arith.constant 0 : i32
    %add3A_4 = arith.addi %mul3A_2, %add3A_3 : i32
    %swap3A = arith.constant 0 : i32
    %swap3A_5 = arith.constant 0 : i32
    %swap3A_6 = arith.index_cast %swap3A_5 : i32 to index
    %swap3A_7 = memref.load %arg8[%swap3A_6] : memref<1xi32, #tpu.memory_space<smem>>
    memref.store %swap3A, %arg8[%swap3A_6] : memref<1xi32, #tpu.memory_space<smem>>
    %swap3A_8 = arith.constant 0 : i32
    %swap3A_9 = arith.constant 0 : i32
    %swap3A_10 = arith.index_cast %swap3A_9 : i32 to index
    %swap3A_11 = memref.load %arg9[%swap3A_10] : memref<1xi32, #tpu.memory_space<smem>>
    memref.store %swap3A_8, %arg9[%swap3A_10] : memref<1xi32, #tpu.memory_space<smem>>
    %broadcast_in_dim3A = arith.constant 0xFF800000 : f32
    %broadcast_in_dim3A_12 = vector.broadcast %broadcast_in_dim3A : f32 to vector<16xf32>
    %mul3A_13 = arith.constant 64 : i32
    %mul3A_14 = arith.muli %add3A_4, %mul3A_13 : i32
    %dma_start3A = arith.constant 0 : i32
    %dma_start3A_15 = arith.constant 0 : i32
    %dma_start3A_16 = tpu.memref_slice %arg4[%dma_start3A_15] : memref<32768xf32, #tpu.memory_space<vmem>> -> memref<16384xf32, #tpu.memory_space<vmem>>
    %dma_start3A_17 = arith.constant 0 : i32
    %dma_start3A_18 = tpu.memref_slice %arg2[%mul3A_14, %dma_start3A_17] : memref<4096x16384xf32, #tpu.memory_space<hbm>> -> memref<1x16384xf32, #tpu.memory_space<hbm>>
    %dma_start3A_19 = tpu.memref_squeeze %dma_start3A_18 : memref<1x16384xf32, #tpu.memory_space<hbm>> -> memref<16384xf32, #tpu.memory_space<hbm>>
    %dma_start3A_20 = tpu.memref_slice %arg10[%dma_start3A] : memref<2x!tpu.dma_semaphore, #tpu.memory_space<semaphore_mem>> -> memref<1x!tpu.dma_semaphore, #tpu.memory_space<semaphore_mem>>
    %dma_start3A_21 = tpu.memref_squeeze %dma_start3A_20 : memref<1x!tpu.dma_semaphore, #tpu.memory_space<semaphore_mem>> -> memref<!tpu.dma_semaphore, #tpu.memory_space<semaphore_mem>>
    %dma_start3A_22 = arith.constant 0 : i32
    %dma_start3A_23 = tpu.memref_slice %arg4[%dma_start3A_22] : memref<32768xf32, #tpu.memory_space<vmem>> -> memref<16384xf32, #tpu.memory_space<vmem>>
    %dma_start3A_24 = arith.constant 0 : i32
    %dma_start3A_25 = tpu.memref_slice %arg2[%mul3A_14, %dma_start3A_24] : memref<4096x16384xf32, #tpu.memory_space<hbm>> -> memref<1x16384xf32, #tpu.memory_space<hbm>>
    %dma_start3A_26 = tpu.memref_squeeze %dma_start3A_25 : memref<1x16384xf32, #tpu.memory_space<hbm>> -> memref<16384xf32, #tpu.memory_space<hbm>>
    tpu.enqueue_dma source(%dma_start3A_26 : memref<16384xf32, #tpu.memory_space<hbm>>) target(%dma_start3A_23 : memref<16384xf32, #tpu.memory_space<vmem>>) target_semaphore(%dma_start3A_21 : memref<!tpu.dma_semaphore, #tpu.memory_space<semaphore_mem>>)
    %scan3A = arith.constant 0 : i32
    %scan3A_27 = arith.constant 64 : i32
    %scan3A_28 = arith.addi %scan3A, %scan3A_27 : i32
    %scan3A_29 = arith.constant 1 : i32
    %scan3A_30:2 = scf.for %scan3A_233 = %scan3A to %scan3A_28 step %scan3A_29 iter_args(%scan3A_234 = %iota3A, %scan3A_235 = %broadcast_in_dim3A_12) -> (vector<16xi32>, vector<16xf32>)  : i32 {
      %jit3A_236 = arith.constant 2 : i32
      %eq3A_237 = arith.constant 0 : i32
      %eq3A_238 = arith.cmpi eq, %jit3A_236, %eq3A_237 : i32
      %jit3A_239 = arith.constant 1 : i32
      %select_n3A_240 = arith.select %eq3A_238, %jit3A_239, %jit3A_236 : i32
      %rem3A = arith.remsi %scan3A_233, %select_n3A_240 : i32
      %ne3A = arith.constant 0 : i32
      %ne3A_241 = arith.cmpi ne, %rem3A, %ne3A : i32
      %lt3A = arith.constant 0 : i32
      %lt3A_242 = arith.cmpi slt, %rem3A, %lt3A : i32
      %lt3A_243 = arith.constant 0 : i32
      %lt3A_244 = arith.cmpi slt, %select_n3A_240, %lt3A_243 : i32
      %ne3A_245 = arith.xori %lt3A_242, %lt3A_244 : i1
      %and3A_246 = arith.andi %ne3A_245, %ne3A_241 : i1
      %add3A_247 = arith.addi %rem3A, %select_n3A_240 : i32
      %select_n3A_248 = arith.select %and3A_246, %add3A_247, %rem3A : i32
      %mul3A_249 = arith.constant 16384 : i32
      %mul3A_250 = arith.muli %select_n3A_248, %mul3A_249 : i32
      %add3A_251 = arith.constant 1 : i32
      %add3A_252 = arith.addi %scan3A_233, %add3A_251 : i32
      %jit3A_253 = arith.constant 2 : i32
      %eq3A_254 = arith.constant 0 : i32
      %eq3A_255 = arith.cmpi eq, %jit3A_253, %eq3A_254 : i32
      %jit3A_256 = arith.constant 1 : i32
      %select_n3A_257 = arith.select %eq3A_255, %jit3A_256, %jit3A_253 : i32
      %rem3A_258 = arith.remsi %add3A_252, %select_n3A_257 : i32
      %ne3A_259 = arith.constant 0 : i32
      %ne3A_260 = arith.cmpi ne, %rem3A_258, %ne3A_259 : i32
      %lt3A_261 = arith.constant 0 : i32
      %lt3A_262 = arith.cmpi slt, %rem3A_258, %lt3A_261 : i32
      %lt3A_263 = arith.constant 0 : i32
      %lt3A_264 = arith.cmpi slt, %select_n3A_257, %lt3A_263 : i32
      %ne3A_265 = arith.xori %lt3A_262, %lt3A_264 : i1
      %and3A_266 = arith.andi %ne3A_265, %ne3A_260 : i1
      %add3A_267 = arith.addi %rem3A_258, %select_n3A_257 : i32
      %select_n3A_268 = arith.select %and3A_266, %add3A_267, %rem3A_258 : i32
      %mul3A_269 = arith.constant 16384 : i32
      %mul3A_270 = arith.muli %select_n3A_268, %mul3A_269 : i32
      %add3A_271 = arith.constant 1 : i32
      %add3A_272 = arith.addi %scan3A_233, %add3A_271 : i32
      %lt3A_273 = arith.constant 64 : i32
      %lt3A_274 = arith.cmpi slt, %add3A_272, %lt3A_273 : i32
      %convert_element_type3A_275 = arith.extui %lt3A_274 : i1 to i32
      %cond3A = arith.constant 0 : i32
      %cond3A_276 = arith.cmpi ne, %convert_element_type3A_275, %cond3A : i32
      scf.if %cond3A_276 {
        %mul3A_311 = arith.constant 64 : i32
        %mul3A_312 = arith.muli %add3A_4, %mul3A_311 : i32
        %add3A_313 = arith.addi %mul3A_312, %scan3A_233 : i32
        %add3A_314 = arith.constant 1 : i32
        %add3A_315 = arith.addi %add3A_313, %add3A_314 : i32
        %add3A_316 = arith.constant 1 : i32
        %add3A_317 = arith.addi %scan3A_233, %add3A_316 : i32
        %jit3A_318 = arith.constant 2 : i32
        %eq3A_319 = arith.constant 0 : i32
        %eq3A_320 = arith.cmpi eq, %jit3A_318, %eq3A_319 : i32
        %jit3A_321 = arith.constant 1 : i32
        %select_n3A_322 = arith.select %eq3A_320, %jit3A_321, %jit3A_318 : i32
        %rem3A_323 = arith.remsi %add3A_317, %select_n3A_322 : i32
        %ne3A_324 = arith.constant 0 : i32
        %ne3A_325 = arith.cmpi ne, %rem3A_323, %ne3A_324 : i32
        %lt3A_326 = arith.constant 0 : i32
        %lt3A_327 = arith.cmpi slt, %rem3A_323, %lt3A_326 : i32
        %lt3A_328 = arith.constant 0 : i32
        %lt3A_329 = arith.cmpi slt, %select_n3A_322, %lt3A_328 : i32
        %ne3A_330 = arith.xori %lt3A_327, %lt3A_329 : i1
        %and3A_331 = arith.andi %ne3A_330, %ne3A_325 : i1
        %add3A_332 = arith.addi %rem3A_323, %select_n3A_322 : i32
        %select_n3A_333 = arith.select %and3A_331, %add3A_332, %rem3A_323 : i32
        %dma_start3A_334 = tpu.memref_slice %arg4[%mul3A_270] : memref<32768xf32, #tpu.memory_space<vmem>> -> memref<16384xf32, #tpu.memory_space<vmem>>
        %dma_start3A_335 = arith.constant 0 : i32
        %dma_start3A_336 = tpu.memref_slice %arg2[%add3A_315, %dma_start3A_335] : memref<4096x16384xf32, #tpu.memory_space<hbm>> -> memref<1x16384xf32, #tpu.memory_space<hbm>>
        %dma_start3A_337 = tpu.memref_squeeze %dma_start3A_336 : memref<1x16384xf32, #tpu.memory_space<hbm>> -> memref<16384xf32, #tpu.memory_space<hbm>>
        %dma_start3A_338 = tpu.memref_slice %arg10[%select_n3A_333] : memref<2x!tpu.dma_semaphore, #tpu.memory_space<semaphore_mem>> -> memref<1x!tpu.dma_semaphore, #tpu.memory_space<semaphore_mem>>
        %dma_start3A_339 = tpu.memref_squeeze %dma_start3A_338 : memref<1x!tpu.dma_semaphore, #tpu.memory_space<semaphore_mem>> -> memref<!tpu.dma_semaphore, #tpu.memory_space<semaphore_mem>>
        %dma_start3A_340 = tpu.memref_slice %arg4[%mul3A_270] : memref<32768xf32, #tpu.memory_space<vmem>> -> memref<16384xf32, #tpu.memory_space<vmem>>
        %dma_start3A_341 = arith.constant 0 : i32
        %dma_start3A_342 = tpu.memref_slice %arg2[%add3A_315, %dma_start3A_341] : memref<4096x16384xf32, #tpu.memory_space<hbm>> -> memref<1x16384xf32, #tpu.memory_space<hbm>>
        %dma_start3A_343 = tpu.memref_squeeze %dma_start3A_342 : memref<1x16384xf32, #tpu.memory_space<hbm>> -> memref<16384xf32, #tpu.memory_space<hbm>>
        tpu.enqueue_dma source(%dma_start3A_343 : memref<16384xf32, #tpu.memory_space<hbm>>) target(%dma_start3A_340 : memref<16384xf32, #tpu.memory_space<vmem>>) target_semaphore(%dma_start3A_339 : memref<!tpu.dma_semaphore, #tpu.memory_space<semaphore_mem>>)
      } else {
      }
      %mul3A_277 = arith.constant 64 : i32
      %mul3A_278 = arith.muli %add3A_4, %mul3A_277 : i32
      %add3A_279 = arith.addi %mul3A_278, %scan3A_233 : i32
      %jit3A_280 = arith.constant 2 : i32
      %eq3A_281 = arith.constant 0 : i32
      %eq3A_282 = arith.cmpi eq, %jit3A_280, %eq3A_281 : i32
      %jit3A_283 = arith.constant 1 : i32
      %select_n3A_284 = arith.select %eq3A_282, %jit3A_283, %jit3A_280 : i32
      %rem3A_285 = arith.remsi %scan3A_233, %select_n3A_284 : i32
      %ne3A_286 = arith.constant 0 : i32
      %ne3A_287 = arith.cmpi ne, %rem3A_285, %ne3A_286 : i32
      %lt3A_288 = arith.constant 0 : i32
      %lt3A_289 = arith.cmpi slt, %rem3A_285, %lt3A_288 : i32
      %lt3A_290 = arith.constant 0 : i32
      %lt3A_291 = arith.cmpi slt, %select_n3A_284, %lt3A_290 : i32
      %ne3A_292 = arith.xori %lt3A_289, %lt3A_291 : i1
      %and3A_293 = arith.andi %ne3A_292, %ne3A_287 : i1
      %add3A_294 = arith.addi %rem3A_285, %select_n3A_284 : i32
      %select_n3A_295 = arith.select %and3A_293, %add3A_294, %rem3A_285 : i32
      %dma_wait3A = tpu.memref_slice %arg4[%mul3A_250] : memref<32768xf32, #tpu.memory_space<vmem>> -> memref<16384xf32, #tpu.memory_space<vmem>>
      %dma_wait3A_296 = arith.constant 0 : i32
      %dma_wait3A_297 = tpu.memref_slice %arg2[%add3A_279, %dma_wait3A_296] : memref<4096x16384xf32, #tpu.memory_space<hbm>> -> memref<1x16384xf32, #tpu.memory_space<hbm>>
      %dma_wait3A_298 = tpu.memref_squeeze %dma_wait3A_297 : memref<1x16384xf32, #tpu.memory_space<hbm>> -> memref<16384xf32, #tpu.memory_space<hbm>>
      %dma_wait3A_299 = tpu.memref_slice %arg10[%select_n3A_295] : memref<2x!tpu.dma_semaphore, #tpu.memory_space<semaphore_mem>> -> memref<1x!tpu.dma_semaphore, #tpu.memory_space<semaphore_mem>>
      %dma_wait3A_300 = tpu.memref_squeeze %dma_wait3A_299 : memref<1x!tpu.dma_semaphore, #tpu.memory_space<semaphore_mem>> -> memref<!tpu.dma_semaphore, #tpu.memory_space<semaphore_mem>>
      %dma_wait3A_301 = tpu.memref_slice %arg4[%mul3A_250] : memref<32768xf32, #tpu.memory_space<vmem>> -> memref<16384xf32, #tpu.memory_space<vmem>>
      %dma_wait3A_302 = arith.constant 0 : i32
      %dma_wait3A_303 = tpu.memref_slice %arg2[%add3A_279, %dma_wait3A_302] : memref<4096x16384xf32, #tpu.memory_space<hbm>> -> memref<1x16384xf32, #tpu.memory_space<hbm>>
      %dma_wait3A_304 = tpu.memref_squeeze %dma_wait3A_303 : memref<1x16384xf32, #tpu.memory_space<hbm>> -> memref<16384xf32, #tpu.memory_space<hbm>>
      tpu.wait_dma2 semaphore(%dma_wait3A_300 : memref<!tpu.dma_semaphore, #tpu.memory_space<semaphore_mem>>) src(%dma_wait3A_304 : memref<16384xf32, #tpu.memory_space<hbm>>) dst(%dma_wait3A_301 : memref<16384xf32, #tpu.memory_space<vmem>>)
      %scan3A_305 = arith.constant 0 : i32
      %scan3A_306 = arith.constant 2 : i32
      %scan3A_307 = arith.addi %scan3A_305, %scan3A_306 : i32
      %scan3A_308 = arith.constant 1 : i32
      %scan3A_309:2 = scf.for %scan3A_311 = %scan3A_305 to %scan3A_307 step %scan3A_308 iter_args(%scan3A_312 = %scan3A_234, %scan3A_313 = %scan3A_235) -> (vector<16xi32>, vector<16xf32>)  : i32 {
        %parallel_loop3A = arith.constant 0 : i32
        %parallel_loop3A_314 = arith.constant 512 : i32
        %parallel_loop3A_315 = arith.constant 1 : i32
        %parallel_loop3A_316:2 = scf.for %parallel_loop3A_330 = %parallel_loop3A to %parallel_loop3A_314 step %parallel_loop3A_315 iter_args(%parallel_loop3A_331 = %scan3A_312, %parallel_loop3A_332 = %scan3A_313) -> (vector<16xi32>, vector<16xf32>)  : i32 {
          %parallel_loop3A_333 = arith.constant 512 : i32
          %parallel_loop3A_334 = arith.muli %scan3A_311, %parallel_loop3A_333 : i32
          %parallel_loop3A_335 = arith.addi %parallel_loop3A_334, %parallel_loop3A_330 : i32
          %parallel_loop3A_336 = arith.constant 16 : i32
          %parallel_loop3A_337 = arith.muli %parallel_loop3A_335, %parallel_loop3A_336 : i32
          %parallel_loop3A_338 = tpu.memref_slice %arg4[%mul3A_250] : memref<32768xf32, #tpu.memory_space<vmem>> -> memref<16384xf32, #tpu.memory_space<vmem>>
          %parallel_loop3A_339 = arith.index_cast %parallel_loop3A_337 : i32 to index
          %parallel_loop3A_340 = tpu.vector_load %parallel_loop3A_338[%parallel_loop3A_339] {strides = array<i32>} : memref<16384xf32, #tpu.memory_space<vmem>>, vector<16xf32>,
          %parallel_loop3A_341 = arith.cmpf ogt, %parallel_loop3A_340, %parallel_loop3A_332 : vector<16xf32>
          tpu.vector_store_idx %arg5[%parallel_loop3A_331], %parallel_loop3A_340 masked %parallel_loop3A_341 : memref<12288xf32, #tpu.memory_space<vmem>>[vector<16xi32>], vector<16xf32>, vector<16xi1>
          %parallel_loop3A_342 = arith.constant 16 : i32
          %parallel_loop3A_343 = arith.constant 0 : i32
          %parallel_loop3A_344 = vector.broadcast %parallel_loop3A_342 : i32 to vector<16xi32>
          %parallel_loop3A_345 = vector.broadcast %parallel_loop3A_343 : i32 to vector<16xi32>
          %parallel_loop3A_346 = arith.select %parallel_loop3A_341, %parallel_loop3A_344, %parallel_loop3A_345 : vector<16xi1>, vector<16xi32>
          %parallel_loop3A_347 = arith.addi %parallel_loop3A_331, %parallel_loop3A_346 : vector<16xi32>
          scf.yield %parallel_loop3A_347, %parallel_loop3A_332 : vector<16xi32>, vector<16xf32>
        } {sc.loop_unroll_factor = 16 : i64, sc.parallel_access}
        %reduce_max3A_317 = arith.constant true
        %reduce_max3A_318 = vector.broadcast %reduce_max3A_317 : i1 to vector<16xi1>
        %reduce_max3A_319 = arith.constant -2147483648 : i32
        %reduce_max3A_320 = vector.broadcast %reduce_max3A_319 : i32 to vector<16xi32>
        %reduce_max3A_321 = arith.xori %parallel_loop3A_316#0, %reduce_max3A_320 : vector<16xi32>
        %reduce_max3A_322 = tpu.scan <max>, %reduce_max3A_321 masked %reduce_max3A_318 : vector<16xi32>, vector<16xi1> -> vector<16xi32>
        %reduce_max3A_323 = arith.xori %reduce_max3A_322, %reduce_max3A_320 : vector<16xi32>
        %reduce_max3A_324 = vector.extract %reduce_max3A_323[15] : i32 from vector<16xi32>
        %gt3A = arith.constant 4096 : i32
        %gt3A_325 = arith.cmpi sgt, %reduce_max3A_324, %gt3A : i32
        %convert_element_type3A_326 = arith.extui %gt3A_325 : i1 to i32
        %cond3A_327 = arith.constant 0 : i32
        %cond3A_328 = arith.cmpi ne, %convert_element_type3A_326, %cond3A_327 : i32
        %cond3A_329:2 = scf.if %cond3A_328 -> (vector<16xi32>, vector<16xf32>) {
          %shift_right_logical3A_330 = arith.constant 4 : i32
          %shift_right_logical3A_331 = vector.broadcast %shift_right_logical3A_330 : i32 to vector<16xi32>
          %shift_right_logical3A_332 = arith.shrui %parallel_loop3A_316#0, %shift_right_logical3A_331 : vector<16xi32>
          %reduce_max3A_333 = arith.constant true
          %reduce_max3A_334 = vector.broadcast %reduce_max3A_333 : i1 to vector<16xi1>
          %reduce_max3A_335 = arith.constant -2147483648 : i32
          %reduce_max3A_336 = vector.broadcast %reduce_max3A_335 : i32 to vector<16xi32>
          %reduce_max3A_337 = arith.xori %shift_right_logical3A_332, %reduce_max3A_336 : vector<16xi32>
          %reduce_max3A_338 = tpu.scan <max>, %reduce_max3A_337 masked %reduce_max3A_334 : vector<16xi32>, vector<16xi1> -> vector<16xi32>
          %reduce_max3A_339 = arith.xori %reduce_max3A_338, %reduce_max3A_336 : vector<16xi32>
          %reduce_max3A_340 = vector.extract %reduce_max3A_339[15] : i32 from vector<16xi32>
          %while3A_341 = arith.constant 0 : i32
          %while3A_342 = arith.constant 0 : i32
          %while3A_343 = arith.subi %reduce_max3A_340, %while3A_341 : i32
          %while3A_344 = arith.addi %while3A_341, %while3A_343 : i32
          %while3A_345 = arith.constant 1 : i32
          %while3A_346 = arith.divsi %while3A_343, %while3A_345 : i32
          %while3A_347 = arith.muli %while3A_346, %while3A_345 : i32
          %while3A_348 = arith.addi %while3A_341, %while3A_347 : i32
          %while3A_349 = arith.constant 1 : i32
          %while3A_350 = scf.for %while3A_403 = %while3A_341 to %while3A_348 step %while3A_349 iter_args(%while3A_404 = %while3A_342) -> (i32)  : i32 {
            %mul3A_405 = arith.constant 16 : i32
            %mul3A_406 = arith.muli %while3A_403, %mul3A_405 : i32
            %get3A_407 = arith.index_cast %mul3A_406 : i32 to index
            %get3A_408 = tpu.vector_load %arg5[%get3A_407] {strides = array<i32>} : memref<12288xf32, #tpu.memory_space<vmem>>, vector<16xf32>,
            %lt3A_409 = vector.broadcast %while3A_403 : i32 to vector<16xi32>
            %lt3A_410 = arith.cmpi slt, %lt3A_409, %shift_right_logical3A_332 : vector<16xi32>
            %bitcast_convert_type3A_411 = tpu.bitcast %get3A_408 : vector<16xf32> -> vector<16xi32>
            %ge3A_412 = arith.constant -2147483648 : i32
            %ge3A_413 = vector.broadcast %ge3A_412 : i32 to vector<16xi32>
            %ge3A_414 = arith.cmpi uge, %bitcast_convert_type3A_411, %ge3A_413 : vector<16xi32>
            %not3A_415 = arith.constant dense<-1> : vector<16xi32>
            %not3A_416 = arith.xori %bitcast_convert_type3A_411, %not3A_415 : vector<16xi32>
            %or3A = arith.constant -2147483648 : i32
            %or3A_417 = vector.broadcast %or3A : i32 to vector<16xi32>
            %or3A_418 = arith.ori %bitcast_convert_type3A_411, %or3A_417 : vector<16xi32>
            %select_n3A_419 = arith.select %ge3A_414, %not3A_416, %or3A_418 : vector<16xi1>, vector<16xi32>
            %jit3A_420 = arith.constant 0 : i32
            %broadcast_in_dim3A_421 = vector.broadcast %jit3A_420 : i32 to vector<16xi32>
            %select_n3A_422 = arith.select %lt3A_410, %select_n3A_419, %broadcast_in_dim3A_421 : vector<16xi1>, vector<16xi32>
            %mul3A_423 = arith.constant 16 : i32
            %mul3A_424 = arith.muli %while3A_403, %mul3A_423 : i32
            %swap3A_425 = arith.index_cast %mul3A_424 : i32 to index
            %swap3A_426 = tpu.vector_load %arg6[%swap3A_425] {strides = array<i32>} : memref<12288xi32, #tpu.memory_space<vmem>>, vector<16xi32>,
            tpu.vector_store %arg6[%swap3A_425], %select_n3A_422 {strides = array<i32>} : memref<12288xi32, #tpu.memory_space<vmem>>, vector<16xi32>,
            %while3A_427 = arith.constant 0 : i32
            scf.yield %while3A_427 : i32
          }
          %while3A_351 = arith.constant 1 : i32
          %while3A_352 = scf.for %while3A_403 = %while3A_348 to %while3A_344 step %while3A_351 iter_args(%while3A_404 = %while3A_350) -> (i32)  : i32 {
            %mul3A_405 = arith.constant 16 : i32
            %mul3A_406 = arith.muli %while3A_403, %mul3A_405 : i32
            %get3A_407 = arith.index_cast %mul3A_406 : i32 to index
            %get3A_408 = tpu.vector_load %arg5[%get3A_407] {strides = array<i32>} : memref<12288xf32, #tpu.memory_space<vmem>>, vector<16xf32>,
            %lt3A_409 = vector.broadcast %while3A_403 : i32 to vector<16xi32>
            %lt3A_410 = arith.cmpi slt, %lt3A_409, %shift_right_logical3A_332 : vector<16xi32>
            %bitcast_convert_type3A_411 = tpu.bitcast %get3A_408 : vector<16xf32> -> vector<16xi32>
            %ge3A_412 = arith.constant -2147483648 : i32
            %ge3A_413 = vector.broadcast %ge3A_412 : i32 to vector<16xi32>
            %ge3A_414 = arith.cmpi uge, %bitcast_convert_type3A_411, %ge3A_413 : vector<16xi32>
            %not3A_415 = arith.constant dense<-1> : vector<16xi32>
            %not3A_416 = arith.xori %bitcast_convert_type3A_411, %not3A_415 : vector<16xi32>
            %or3A = arith.constant -2147483648 : i32
            %or3A_417 = vector.broadcast %or3A : i32 to vector<16xi32>
            %or3A_418 = arith.ori %bitcast_convert_type3A_411, %or3A_417 : vector<16xi32>
            %select_n3A_419 = arith.select %ge3A_414, %not3A_416, %or3A_418 : vector<16xi1>, vector<16xi32>
            %jit3A_420 = arith.constant 0 : i32
            %broadcast_in_dim3A_421 = vector.broadcast %jit3A_420 : i32 to vector<16xi32>
            %select_n3A_422 = arith.select %lt3A_410, %select_n3A_419, %broadcast_in_dim3A_421 : vector<16xi1>, vector<16xi32>
            %mul3A_423 = arith.constant 16 : i32
            %mul3A_424 = arith.muli %while3A_403, %mul3A_423 : i32
            %swap3A_425 = arith.index_cast %mul3A_424 : i32 to index
            %swap3A_426 = tpu.vector_load %arg6[%swap3A_425] {strides = array<i32>} : memref<12288xi32, #tpu.memory_space<vmem>>, vector<16xi32>,
            tpu.vector_store %arg6[%swap3A_425], %select_n3A_422 {strides = array<i32>} : memref<12288xi32, #tpu.memory_space<vmem>>, vector<16xi32>,
            %while3A_427 = arith.constant 0 : i32
            scf.yield %while3A_427 : i32
          }
          %get3A_353 = arith.constant 0 : i32
          %get3A_354 = arith.index_cast %get3A_353 : i32 to index
          %get3A_355 = memref.load %arg8[%get3A_354] : memref<1xi32, #tpu.memory_space<smem>>
          %get3A_356 = arith.constant 0 : i32
          %get3A_357 = arith.index_cast %get3A_356 : i32 to index
          %get3A_358 = memref.load %arg9[%get3A_357] : memref<1xi32, #tpu.memory_space<smem>>
          %scan3A_359 = arith.constant 0 : i32
          %scan3A_360 = arith.constant 0 : i32
          %scan3A_361 = arith.constant 32 : i32
          %scan3A_362 = arith.addi %scan3A_360, %scan3A_361 : i32
          %scan3A_363 = arith.constant 1 : i32
          %scan3A_364 = scf.for %scan3A_403 = %scan3A_360 to %scan3A_362 step %scan3A_363 iter_args(%scan3A_404 = %scan3A_359) -> (i32)  : i32 {
            %sub3A_405 = arith.constant 31 : i32
            %sub3A_406 = arith.subi %sub3A_405, %scan3A_403 : i32
            %shift_left3A = arith.constant 1 : i32
            %shift_left3A_407 = arith.shli %shift_left3A, %sub3A_406 : i32
            %or3A = arith.ori %scan3A_404, %shift_left3A_407 : i32
            %broadcast_in_dim3A_408 = arith.constant 0 : i32
            %broadcast_in_dim3A_409 = vector.broadcast %broadcast_in_dim3A_408 : i32 to vector<16xi32>
            %while3A_410 = arith.constant 0 : i32
            %while3A_411 = arith.subi %reduce_max3A_340, %while3A_410 : i32
            %while3A_412 = arith.addi %while3A_410, %while3A_411 : i32
            %while3A_413 = arith.constant 1 : i32
            %while3A_414 = arith.divsi %while3A_411, %while3A_413 : i32
            %while3A_415 = arith.muli %while3A_414, %while3A_413 : i32
            %while3A_416 = arith.addi %while3A_410, %while3A_415 : i32
            %while3A_417 = arith.constant 1 : i32
            %while3A_418 = scf.for %while3A_432 = %while3A_410 to %while3A_416 step %while3A_417 iter_args(%while3A_433 = %broadcast_in_dim3A_409) -> (vector<16xi32>)  : i32 {
              %mul3A_434 = arith.constant 16 : i32
              %mul3A_435 = arith.muli %while3A_432, %mul3A_434 : i32
              %get3A_436 = arith.index_cast %mul3A_435 : i32 to index
              %get3A_437 = tpu.vector_load %arg6[%get3A_436] {strides = array<i32>} : memref<12288xi32, #tpu.memory_space<vmem>>, vector<16xi32>,
              %ge3A_438 = vector.broadcast %or3A : i32 to vector<16xi32>
              %ge3A_439 = arith.cmpi uge, %get3A_437, %ge3A_438 : vector<16xi32>
              %convert_element_type3A_440 = arith.extui %ge3A_439 : vector<16xi1> to vector<16xi32>
              %add3A_441 = arith.addi %while3A_433, %convert_element_type3A_440 : vector<16xi32>
              scf.yield %add3A_441 : vector<16xi32>
            }
            %while3A_419 = arith.constant 1 : i32
            %while3A_420 = scf.for %while3A_432 = %while3A_416 to %while3A_412 step %while3A_419 iter_args(%while3A_433 = %while3A_418) -> (vector<16xi32>)  : i32 {
              %mul3A_434 = arith.constant 16 : i32
              %mul3A_435 = arith.muli %while3A_432, %mul3A_434 : i32
              %get3A_436 = arith.index_cast %mul3A_435 : i32 to index
              %get3A_437 = tpu.vector_load %arg6[%get3A_436] {strides = array<i32>} : memref<12288xi32, #tpu.memory_space<vmem>>, vector<16xi32>,
              %ge3A_438 = vector.broadcast %or3A : i32 to vector<16xi32>
              %ge3A_439 = arith.cmpi uge, %get3A_437, %ge3A_438 : vector<16xi32>
              %convert_element_type3A_440 = arith.extui %ge3A_439 : vector<16xi1> to vector<16xi32>
              %add3A_441 = arith.addi %while3A_433, %convert_element_type3A_440 : vector<16xi32>
              scf.yield %add3A_441 : vector<16xi32>
            }
            %reduce_sum3A_421 = arith.constant true
            %reduce_sum3A_422 = vector.broadcast %reduce_sum3A_421 : i1 to vector<16xi1>
            %reduce_sum3A_423 = tpu.scan <sum>, %while3A_420 masked %reduce_sum3A_422 : vector<16xi32>, vector<16xi1> -> vector<16xi32>
            %reduce_sum3A_424 = vector.extract %reduce_sum3A_423[15] : i32 from vector<16xi32>
            %ge3A_425 = arith.cmpi uge, %get3A_358, %or3A : i32
            %jit3A_426 = arith.constant 0 : i32
            %select_n3A_427 = arith.select %ge3A_425, %get3A_355, %jit3A_426 : i32
            %add3A_428 = arith.addi %reduce_sum3A_424, %select_n3A_427 : i32
            %ge3A_429 = arith.constant 256 : i32
            %ge3A_430 = arith.cmpi sge, %add3A_428, %ge3A_429 : i32
            %select_n3A_431 = arith.select %ge3A_430, %or3A, %scan3A_404 : i32
            scf.yield %select_n3A_431 : i32
          }
          %scan3A_365 = arith.constant 32 : i32
          %broadcast_in_dim3A_366 = vector.broadcast %scan3A_364 : i32 to vector<16xi32>
          %ge3A_367 = arith.constant -2147483648 : i32
          %ge3A_368 = vector.broadcast %ge3A_367 : i32 to vector<16xi32>
          %ge3A_369 = arith.cmpi uge, %broadcast_in_dim3A_366, %ge3A_368 : vector<16xi32>
          %and3A_370 = arith.constant 2147483647 : i32
          %and3A_371 = vector.broadcast %and3A_370 : i32 to vector<16xi32>
          %and3A_372 = arith.andi %broadcast_in_dim3A_366, %and3A_371 : vector<16xi32>
          %not3A_373 = arith.constant dense<-1> : vector<16xi32>
          %not3A_374 = arith.xori %broadcast_in_dim3A_366, %not3A_373 : vector<16xi32>
          %select_n3A_375 = arith.select %ge3A_369, %and3A_372, %not3A_374 : vector<16xi1>, vector<16xi32>
          %bitcast_convert_type3A_376 = tpu.bitcast %select_n3A_375 : vector<16xi32> -> vector<16xf32>
          %while3A_377 = arith.constant 0 : i32
          %while3A_378 = arith.subi %reduce_max3A_340, %while3A_377 : i32
          %while3A_379 = arith.addi %while3A_377, %while3A_378 : i32
          %while3A_380 = arith.constant 1 : i32
          %while3A_381 = arith.divsi %while3A_378, %while3A_380 : i32
          %while3A_382 = arith.muli %while3A_381, %while3A_380 : i32
          %while3A_383 = arith.addi %while3A_377, %while3A_382 : i32
          %while3A_384 = arith.constant 1 : i32
          %while3A_385 = scf.for %while3A_403 = %while3A_377 to %while3A_383 step %while3A_384 iter_args(%while3A_404 = %iota3A) -> (vector<16xi32>)  : i32 {
            %mul3A_405 = arith.constant 16 : i32
            %mul3A_406 = arith.muli %while3A_403, %mul3A_405 : i32
            %get3A_407 = arith.index_cast %mul3A_406 : i32 to index
            %get3A_408 = tpu.vector_load %arg6[%get3A_407] {strides = array<i32>} : memref<12288xi32, #tpu.memory_space<vmem>>, vector<16xi32>,
            %mul3A_409 = arith.constant 16 : i32
            %mul3A_410 = arith.muli %while3A_403, %mul3A_409 : i32
            %get3A_411 = arith.index_cast %mul3A_410 : i32 to index
            %get3A_412 = tpu.vector_load %arg5[%get3A_411] {strides = array<i32>} : memref<12288xf32, #tpu.memory_space<vmem>>, vector<16xf32>,
            %gt3A_413 = vector.broadcast %scan3A_364 : i32 to vector<16xi32>
            %gt3A_414 = arith.cmpi ugt, %get3A_408, %gt3A_413 : vector<16xi32>
            tpu.vector_store_idx %arg5[%while3A_404], %get3A_412 masked %gt3A_414 : memref<12288xf32, #tpu.memory_space<vmem>>[vector<16xi32>], vector<16xf32>, vector<16xi1>
            %jit3A_415 = arith.constant 16 : i32
            %jit3A_416 = arith.constant 0 : i32
            %broadcast_in_dim3A_417 = vector.broadcast %jit3A_415 : i32 to vector<16xi32>
            %broadcast_in_dim3A_418 = vector.broadcast %jit3A_416 : i32 to vector<16xi32>
            %select_n3A_419 = arith.select %gt3A_414, %broadcast_in_dim3A_417, %broadcast_in_dim3A_418 : vector<16xi1>, vector<16xi32>
            %add3A_420 = arith.addi %while3A_404, %select_n3A_419 : vector<16xi32>
            scf.yield %add3A_420 : vector<16xi32>
          }
          %while3A_386 = arith.constant 1 : i32
          %while3A_387 = scf.for %while3A_403 = %while3A_383 to %while3A_379 step %while3A_386 iter_args(%while3A_404 = %while3A_385) -> (vector<16xi32>)  : i32 {
            %mul3A_405 = arith.constant 16 : i32
            %mul3A_406 = arith.muli %while3A_403, %mul3A_405 : i32
            %get3A_407 = arith.index_cast %mul3A_406 : i32 to index
            %get3A_408 = tpu.vector_load %arg6[%get3A_407] {strides = array<i32>} : memref<12288xi32, #tpu.memory_space<vmem>>, vector<16xi32>,
            %mul3A_409 = arith.constant 16 : i32
            %mul3A_410 = arith.muli %while3A_403, %mul3A_409 : i32
            %get3A_411 = arith.index_cast %mul3A_410 : i32 to index
            %get3A_412 = tpu.vector_load %arg5[%get3A_411] {strides = array<i32>} : memref<12288xf32, #tpu.memory_space<vmem>>, vector<16xf32>,
            %gt3A_413 = vector.broadcast %scan3A_364 : i32 to vector<16xi32>
            %gt3A_414 = arith.cmpi ugt, %get3A_408, %gt3A_413 : vector<16xi32>
            tpu.vector_store_idx %arg5[%while3A_404], %get3A_412 masked %gt3A_414 : memref<12288xf32, #tpu.memory_space<vmem>>[vector<16xi32>], vector<16xf32>, vector<16xi1>
            %jit3A_415 = arith.constant 16 : i32
            %jit3A_416 = arith.constant 0 : i32
            %broadcast_in_dim3A_417 = vector.broadcast %jit3A_415 : i32 to vector<16xi32>
            %broadcast_in_dim3A_418 = vector.broadcast %jit3A_416 : i32 to vector<16xi32>
            %select_n3A_419 = arith.select %gt3A_414, %broadcast_in_dim3A_417, %broadcast_in_dim3A_418 : vector<16xi1>, vector<16xi32>
            %add3A_420 = arith.addi %while3A_404, %select_n3A_419 : vector<16xi32>
            scf.yield %add3A_420 : vector<16xi32>
          }
          %shift_right_logical3A_388 = arith.constant 4 : i32
          %shift_right_logical3A_389 = vector.broadcast %shift_right_logical3A_388 : i32 to vector<16xi32>
          %shift_right_logical3A_390 = arith.shrui %while3A_387, %shift_right_logical3A_389 : vector<16xi32>
          %reduce_sum3A_391 = arith.constant true
          %reduce_sum3A_392 = vector.broadcast %reduce_sum3A_391 : i1 to vector<16xi1>
          %reduce_sum3A_393 = tpu.scan <sum>, %shift_right_logical3A_390 masked %reduce_sum3A_392 : vector<16xi32>, vector<16xi1> -> vector<16xi32>
          %reduce_sum3A_394 = vector.extract %reduce_sum3A_393[15] : i32 from vector<16xi32>
          %sub3A_395 = arith.constant 256 : i32
          %sub3A_396 = arith.subi %sub3A_395, %reduce_sum3A_394 : i32
          %swap3A_397 = arith.constant 0 : i32
          %swap3A_398 = arith.index_cast %swap3A_397 : i32 to index
          %swap3A_399 = memref.load %arg8[%swap3A_398] : memref<1xi32, #tpu.memory_space<smem>>
          memref.store %sub3A_396, %arg8[%swap3A_398] : memref<1xi32, #tpu.memory_space<smem>>
          %swap3A_400 = arith.constant 0 : i32
          %swap3A_401 = arith.index_cast %swap3A_400 : i32 to index
          %swap3A_402 = memref.load %arg9[%swap3A_401] : memref<1xi32, #tpu.memory_space<smem>>
          memref.store %scan3A_364, %arg9[%swap3A_401] : memref<1xi32, #tpu.memory_space<smem>>
          scf.yield %while3A_387, %bitcast_convert_type3A_376 : vector<16xi32>, vector<16xf32>
        } else {
          scf.yield %parallel_loop3A_316#0, %parallel_loop3A_316#1 : vector<16xi32>, vector<16xf32>
        }
        scf.yield %cond3A_329#0, %cond3A_329#1 : vector<16xi32>, vector<16xf32>
      }
      %scan3A_310 = arith.constant 2 : i32
      scf.yield %scan3A_309#0, %scan3A_309#1 : vector<16xi32>, vector<16xf32>
    }
    %scan3A_31 = arith.constant 64 : i32
    %shift_right_logical3A = arith.constant 4 : i32
    %shift_right_logical3A_32 = vector.broadcast %shift_right_logical3A : i32 to vector<16xi32>
    %shift_right_logical3A_33 = arith.shrui %scan3A_30#0, %shift_right_logical3A_32 : vector<16xi32>
    %reduce_max3A = arith.constant true
    %reduce_max3A_34 = vector.broadcast %reduce_max3A : i1 to vector<16xi1>
    %reduce_max3A_35 = arith.constant -2147483648 : i32
    %reduce_max3A_36 = vector.broadcast %reduce_max3A_35 : i32 to vector<16xi32>
    %reduce_max3A_37 = arith.xori %shift_right_logical3A_33, %reduce_max3A_36 : vector<16xi32>
    %reduce_max3A_38 = tpu.scan <max>, %reduce_max3A_37 masked %reduce_max3A_34 : vector<16xi32>, vector<16xi1> -> vector<16xi32>
    %reduce_max3A_39 = arith.xori %reduce_max3A_38, %reduce_max3A_36 : vector<16xi32>
    %reduce_max3A_40 = vector.extract %reduce_max3A_39[15] : i32 from vector<16xi32>
    %while3A = arith.constant 0 : i32
    %while3A_41 = arith.constant 0 : i32
    %while3A_42 = arith.subi %reduce_max3A_40, %while3A : i32
    %while3A_43 = arith.addi %while3A, %while3A_42 : i32
    %while3A_44 = arith.constant 1 : i32
    %while3A_45 = arith.divsi %while3A_42, %while3A_44 : i32
    %while3A_46 = arith.muli %while3A_45, %while3A_44 : i32
    %while3A_47 = arith.addi %while3A, %while3A_46 : i32
    %while3A_48 = arith.constant 1 : i32
    %while3A_49 = scf.for %while3A_233 = %while3A to %while3A_47 step %while3A_48 iter_args(%while3A_234 = %while3A_41) -> (i32)  : i32 {
      %mul3A_235 = arith.constant 16 : i32
      %mul3A_236 = arith.muli %while3A_233, %mul3A_235 : i32
      %get3A_237 = arith.index_cast %mul3A_236 : i32 to index
      %get3A_238 = tpu.vector_load %arg5[%get3A_237] {strides = array<i32>} : memref<12288xf32, #tpu.memory_space<vmem>>, vector<16xf32>,
      %lt3A = vector.broadcast %while3A_233 : i32 to vector<16xi32>
      %lt3A_239 = arith.cmpi slt, %lt3A, %shift_right_logical3A_33 : vector<16xi32>
      %bitcast_convert_type3A_240 = tpu.bitcast %get3A_238 : vector<16xf32> -> vector<16xi32>
      %ge3A_241 = arith.constant -2147483648 : i32
      %ge3A_242 = vector.broadcast %ge3A_241 : i32 to vector<16xi32>
      %ge3A_243 = arith.cmpi uge, %bitcast_convert_type3A_240, %ge3A_242 : vector<16xi32>
      %not3A_244 = arith.constant dense<-1> : vector<16xi32>
      %not3A_245 = arith.xori %bitcast_convert_type3A_240, %not3A_244 : vector<16xi32>
      %or3A = arith.constant -2147483648 : i32
      %or3A_246 = vector.broadcast %or3A : i32 to vector<16xi32>
      %or3A_247 = arith.ori %bitcast_convert_type3A_240, %or3A_246 : vector<16xi32>
      %select_n3A_248 = arith.select %ge3A_243, %not3A_245, %or3A_247 : vector<16xi1>, vector<16xi32>
      %jit3A_249 = arith.constant 0 : i32
      %broadcast_in_dim3A_250 = vector.broadcast %jit3A_249 : i32 to vector<16xi32>
      %select_n3A_251 = arith.select %lt3A_239, %select_n3A_248, %broadcast_in_dim3A_250 : vector<16xi1>, vector<16xi32>
      %mul3A_252 = arith.constant 16 : i32
      %mul3A_253 = arith.muli %while3A_233, %mul3A_252 : i32
      %swap3A_254 = arith.index_cast %mul3A_253 : i32 to index
      %swap3A_255 = tpu.vector_load %arg6[%swap3A_254] {strides = array<i32>} : memref<12288xi32, #tpu.memory_space<vmem>>, vector<16xi32>,
      tpu.vector_store %arg6[%swap3A_254], %select_n3A_251 {strides = array<i32>} : memref<12288xi32, #tpu.memory_space<vmem>>, vector<16xi32>,
      %while3A_256 = arith.constant 0 : i32
      scf.yield %while3A_256 : i32
    }
    %while3A_50 = arith.constant 1 : i32
    %while3A_51 = scf.for %while3A_233 = %while3A_47 to %while3A_43 step %while3A_50 iter_args(%while3A_234 = %while3A_49) -> (i32)  : i32 {
      %mul3A_235 = arith.constant 16 : i32
      %mul3A_236 = arith.muli %while3A_233, %mul3A_235 : i32
      %get3A_237 = arith.index_cast %mul3A_236 : i32 to index
      %get3A_238 = tpu.vector_load %arg5[%get3A_237] {strides = array<i32>} : memref<12288xf32, #tpu.memory_space<vmem>>, vector<16xf32>,
      %lt3A = vector.broadcast %while3A_233 : i32 to vector<16xi32>
      %lt3A_239 = arith.cmpi slt, %lt3A, %shift_right_logical3A_33 : vector<16xi32>
      %bitcast_convert_type3A_240 = tpu.bitcast %get3A_238 : vector<16xf32> -> vector<16xi32>
      %ge3A_241 = arith.constant -2147483648 : i32
      %ge3A_242 = vector.broadcast %ge3A_241 : i32 to vector<16xi32>
      %ge3A_243 = arith.cmpi uge, %bitcast_convert_type3A_240, %ge3A_242 : vector<16xi32>
      %not3A_244 = arith.constant dense<-1> : vector<16xi32>
      %not3A_245 = arith.xori %bitcast_convert_type3A_240, %not3A_244 : vector<16xi32>
      %or3A = arith.constant -2147483648 : i32
      %or3A_246 = vector.broadcast %or3A : i32 to vector<16xi32>
      %or3A_247 = arith.ori %bitcast_convert_type3A_240, %or3A_246 : vector<16xi32>
      %select_n3A_248 = arith.select %ge3A_243, %not3A_245, %or3A_247 : vector<16xi1>, vector<16xi32>
      %jit3A_249 = arith.constant 0 : i32
      %broadcast_in_dim3A_250 = vector.broadcast %jit3A_249 : i32 to vector<16xi32>
      %select_n3A_251 = arith.select %lt3A_239, %select_n3A_248, %broadcast_in_dim3A_250 : vector<16xi1>, vector<16xi32>
      %mul3A_252 = arith.constant 16 : i32
      %mul3A_253 = arith.muli %while3A_233, %mul3A_252 : i32
      %swap3A_254 = arith.index_cast %mul3A_253 : i32 to index
      %swap3A_255 = tpu.vector_load %arg6[%swap3A_254] {strides = array<i32>} : memref<12288xi32, #tpu.memory_space<vmem>>, vector<16xi32>,
      tpu.vector_store %arg6[%swap3A_254], %select_n3A_251 {strides = array<i32>} : memref<12288xi32, #tpu.memory_space<vmem>>, vector<16xi32>,
      %while3A_256 = arith.constant 0 : i32
      scf.yield %while3A_256 : i32
    }
    %get3A = arith.constant 0 : i32
    %get3A_52 = arith.index_cast %get3A : i32 to index
    %get3A_53 = memref.load %arg8[%get3A_52] : memref<1xi32, #tpu.memory_space<smem>>
    %get3A_54 = arith.constant 0 : i32
    %get3A_55 = arith.index_cast %get3A_54 : i32 to index
    %get3A_56 = memref.load %arg9[%get3A_55] : memref<1xi32, #tpu.memory_space<smem>>
    %scan3A_57 = arith.constant 0 : i32
    %scan3A_58 = arith.constant 0 : i32
    %scan3A_59 = arith.constant 32 : i32
    %scan3A_60 = arith.addi %scan3A_58, %scan3A_59 : i32
    %scan3A_61 = arith.constant 1 : i32
    %scan3A_62 = scf.for %scan3A_233 = %scan3A_58 to %scan3A_60 step %scan3A_61 iter_args(%scan3A_234 = %scan3A_57) -> (i32)  : i32 {
      %sub3A_235 = arith.constant 31 : i32
      %sub3A_236 = arith.subi %sub3A_235, %scan3A_233 : i32
      %shift_left3A = arith.constant 1 : i32
      %shift_left3A_237 = arith.shli %shift_left3A, %sub3A_236 : i32
      %or3A = arith.ori %scan3A_234, %shift_left3A_237 : i32
      %broadcast_in_dim3A_238 = arith.constant 0 : i32
      %broadcast_in_dim3A_239 = vector.broadcast %broadcast_in_dim3A_238 : i32 to vector<16xi32>
      %while3A_240 = arith.constant 0 : i32
      %while3A_241 = arith.subi %reduce_max3A_40, %while3A_240 : i32
      %while3A_242 = arith.addi %while3A_240, %while3A_241 : i32
      %while3A_243 = arith.constant 1 : i32
      %while3A_244 = arith.divsi %while3A_241, %while3A_243 : i32
      %while3A_245 = arith.muli %while3A_244, %while3A_243 : i32
      %while3A_246 = arith.addi %while3A_240, %while3A_245 : i32
      %while3A_247 = arith.constant 1 : i32
      %while3A_248 = scf.for %while3A_262 = %while3A_240 to %while3A_246 step %while3A_247 iter_args(%while3A_263 = %broadcast_in_dim3A_239) -> (vector<16xi32>)  : i32 {
        %mul3A_264 = arith.constant 16 : i32
        %mul3A_265 = arith.muli %while3A_262, %mul3A_264 : i32
        %get3A_266 = arith.index_cast %mul3A_265 : i32 to index
        %get3A_267 = tpu.vector_load %arg6[%get3A_266] {strides = array<i32>} : memref<12288xi32, #tpu.memory_space<vmem>>, vector<16xi32>,
        %ge3A_268 = vector.broadcast %or3A : i32 to vector<16xi32>
        %ge3A_269 = arith.cmpi uge, %get3A_267, %ge3A_268 : vector<16xi32>
        %convert_element_type3A_270 = arith.extui %ge3A_269 : vector<16xi1> to vector<16xi32>
        %add3A_271 = arith.addi %while3A_263, %convert_element_type3A_270 : vector<16xi32>
        scf.yield %add3A_271 : vector<16xi32>
      }
      %while3A_249 = arith.constant 1 : i32
      %while3A_250 = scf.for %while3A_262 = %while3A_246 to %while3A_242 step %while3A_249 iter_args(%while3A_263 = %while3A_248) -> (vector<16xi32>)  : i32 {
        %mul3A_264 = arith.constant 16 : i32
        %mul3A_265 = arith.muli %while3A_262, %mul3A_264 : i32
        %get3A_266 = arith.index_cast %mul3A_265 : i32 to index
        %get3A_267 = tpu.vector_load %arg6[%get3A_266] {strides = array<i32>} : memref<12288xi32, #tpu.memory_space<vmem>>, vector<16xi32>,
        %ge3A_268 = vector.broadcast %or3A : i32 to vector<16xi32>
        %ge3A_269 = arith.cmpi uge, %get3A_267, %ge3A_268 : vector<16xi32>
        %convert_element_type3A_270 = arith.extui %ge3A_269 : vector<16xi1> to vector<16xi32>
        %add3A_271 = arith.addi %while3A_263, %convert_element_type3A_270 : vector<16xi32>
        scf.yield %add3A_271 : vector<16xi32>
      }
      %reduce_sum3A_251 = arith.constant true
      %reduce_sum3A_252 = vector.broadcast %reduce_sum3A_251 : i1 to vector<16xi1>
      %reduce_sum3A_253 = tpu.scan <sum>, %while3A_250 masked %reduce_sum3A_252 : vector<16xi32>, vector<16xi1> -> vector<16xi32>
      %reduce_sum3A_254 = vector.extract %reduce_sum3A_253[15] : i32 from vector<16xi32>
      %ge3A_255 = arith.cmpi uge, %get3A_56, %or3A : i32
      %jit3A_256 = arith.constant 0 : i32
      %select_n3A_257 = arith.select %ge3A_255, %get3A_53, %jit3A_256 : i32
      %add3A_258 = arith.addi %reduce_sum3A_254, %select_n3A_257 : i32
      %ge3A_259 = arith.constant 256 : i32
      %ge3A_260 = arith.cmpi sge, %add3A_258, %ge3A_259 : i32
      %select_n3A_261 = arith.select %ge3A_260, %or3A, %scan3A_234 : i32
      scf.yield %select_n3A_261 : i32
    }
    %scan3A_63 = arith.constant 32 : i32
    %broadcast_in_dim3A_64 = vector.broadcast %scan3A_62 : i32 to vector<16xi32>
    %ge3A = arith.constant -2147483648 : i32
    %ge3A_65 = vector.broadcast %ge3A : i32 to vector<16xi32>
    %ge3A_66 = arith.cmpi uge, %broadcast_in_dim3A_64, %ge3A_65 : vector<16xi32>
    %and3A = arith.constant 2147483647 : i32
    %and3A_67 = vector.broadcast %and3A : i32 to vector<16xi32>
    %and3A_68 = arith.andi %broadcast_in_dim3A_64, %and3A_67 : vector<16xi32>
    %not3A = arith.constant dense<-1> : vector<16xi32>
    %not3A_69 = arith.xori %broadcast_in_dim3A_64, %not3A : vector<16xi32>
    %select_n3A = arith.select %ge3A_66, %and3A_68, %not3A_69 : vector<16xi1>, vector<16xi32>
    %bitcast_convert_type3A = tpu.bitcast %select_n3A : vector<16xi32> -> vector<16xf32>
    %reduce_max3A_70 = arith.constant true
    %reduce_max3A_71 = vector.broadcast %reduce_max3A_70 : i1 to vector<16xi1>
    %reduce_max3A_72 = tpu.scan <max>, %bitcast_convert_type3A masked %reduce_max3A_71 : vector<16xf32>, vector<16xi1> -> vector<16xf32>
    %reduce_max3A_73 = vector.extract %reduce_max3A_72[15] : f32 from vector<16xf32>
    %broadcast_in_dim3A_74 = arith.constant 0 : i32
    %broadcast_in_dim3A_75 = vector.broadcast %broadcast_in_dim3A_74 : i32 to vector<16xi32>
    %broadcast_in_dim3A_76 = arith.constant 0.000000e+00 : f32
    %broadcast_in_dim3A_77 = vector.broadcast %broadcast_in_dim3A_76 : f32 to vector<16xf32>
    %while3A_78 = arith.constant 0 : i32
    %while3A_79 = arith.subi %reduce_max3A_40, %while3A_78 : i32
    %while3A_80 = arith.addi %while3A_78, %while3A_79 : i32
    %while3A_81 = arith.constant 1 : i32
    %while3A_82 = arith.divsi %while3A_79, %while3A_81 : i32
    %while3A_83 = arith.muli %while3A_82, %while3A_81 : i32
    %while3A_84 = arith.addi %while3A_78, %while3A_83 : i32
    %while3A_85 = arith.constant 1 : i32
    %while3A_86:2 = scf.for %while3A_233 = %while3A_78 to %while3A_84 step %while3A_85 iter_args(%while3A_234 = %broadcast_in_dim3A_75, %while3A_235 = %broadcast_in_dim3A_77) -> (vector<16xi32>, vector<16xf32>)  : i32 {
      %mul3A_236 = arith.constant 16 : i32
      %mul3A_237 = arith.muli %while3A_233, %mul3A_236 : i32
      %get3A_238 = arith.index_cast %mul3A_237 : i32 to index
      %get3A_239 = tpu.vector_load %arg6[%get3A_238] {strides = array<i32>} : memref<12288xi32, #tpu.memory_space<vmem>>, vector<16xi32>,
      %mul3A_240 = arith.constant 16 : i32
      %mul3A_241 = arith.muli %while3A_233, %mul3A_240 : i32
      %get3A_242 = arith.index_cast %mul3A_241 : i32 to index
      %get3A_243 = tpu.vector_load %arg5[%get3A_242] {strides = array<i32>} : memref<12288xf32, #tpu.memory_space<vmem>>, vector<16xf32>,
      %gt3A = vector.broadcast %scan3A_62 : i32 to vector<16xi32>
      %gt3A_244 = arith.cmpi ugt, %get3A_239, %gt3A : vector<16xi32>
      %convert_element_type3A_245 = arith.extui %gt3A_244 : vector<16xi1> to vector<16xi32>
      %add3A_246 = arith.addi %while3A_234, %convert_element_type3A_245 : vector<16xi32>
      %jit3A_247 = arith.constant 0.000000e+00 : f32
      %broadcast_in_dim3A_248 = vector.broadcast %jit3A_247 : f32 to vector<16xf32>
      %select_n3A_249 = arith.select %gt3A_244, %get3A_243, %broadcast_in_dim3A_248 : vector<16xi1>, vector<16xf32>
      %add3A_250 = arith.addf %while3A_235, %select_n3A_249 : vector<16xf32>
      scf.yield %add3A_246, %add3A_250 : vector<16xi32>, vector<16xf32>
    }
    %while3A_87 = arith.constant 1 : i32
    %while3A_88:2 = scf.for %while3A_233 = %while3A_84 to %while3A_80 step %while3A_87 iter_args(%while3A_234 = %while3A_86#0, %while3A_235 = %while3A_86#1) -> (vector<16xi32>, vector<16xf32>)  : i32 {
      %mul3A_236 = arith.constant 16 : i32
      %mul3A_237 = arith.muli %while3A_233, %mul3A_236 : i32
      %get3A_238 = arith.index_cast %mul3A_237 : i32 to index
      %get3A_239 = tpu.vector_load %arg6[%get3A_238] {strides = array<i32>} : memref<12288xi32, #tpu.memory_space<vmem>>, vector<16xi32>,
      %mul3A_240 = arith.constant 16 : i32
      %mul3A_241 = arith.muli %while3A_233, %mul3A_240 : i32
      %get3A_242 = arith.index_cast %mul3A_241 : i32 to index
      %get3A_243 = tpu.vector_load %arg5[%get3A_242] {strides = array<i32>} : memref<12288xf32, #tpu.memory_space<vmem>>, vector<16xf32>,
      %gt3A = vector.broadcast %scan3A_62 : i32 to vector<16xi32>
      %gt3A_244 = arith.cmpi ugt, %get3A_239, %gt3A : vector<16xi32>
      %convert_element_type3A_245 = arith.extui %gt3A_244 : vector<16xi1> to vector<16xi32>
      %add3A_246 = arith.addi %while3A_234, %convert_element_type3A_245 : vector<16xi32>
      %jit3A_247 = arith.constant 0.000000e+00 : f32
      %broadcast_in_dim3A_248 = vector.broadcast %jit3A_247 : f32 to vector<16xf32>
      %select_n3A_249 = arith.select %gt3A_244, %get3A_243, %broadcast_in_dim3A_248 : vector<16xi1>, vector<16xf32>
      %add3A_250 = arith.addf %while3A_235, %select_n3A_249 : vector<16xf32>
      scf.yield %add3A_246, %add3A_250 : vector<16xi32>, vector<16xf32>
    }
    %reduce_sum3A = arith.constant true
    %reduce_sum3A_89 = vector.broadcast %reduce_sum3A : i1 to vector<16xi1>
    %reduce_sum3A_90 = tpu.scan <sum>, %while3A_88#0 masked %reduce_sum3A_89 : vector<16xi32>, vector<16xi1> -> vector<16xi32>
    %reduce_sum3A_91 = vector.extract %reduce_sum3A_90[15] : i32 from vector<16xi32>
    %reduce_sum3A_92 = arith.constant true
    %reduce_sum3A_93 = vector.broadcast %reduce_sum3A_92 : i1 to vector<16xi1>
    %reduce_sum3A_94 = tpu.scan <sum>, %while3A_88#1 masked %reduce_sum3A_93 : vector<16xf32>, vector<16xi1> -> vector<16xf32>
    %reduce_sum3A_95 = vector.extract %reduce_sum3A_94[15] : f32 from vector<16xf32>
    %sub3A = arith.constant 256 : i32
    %sub3A_96 = arith.subi %sub3A, %reduce_sum3A_91 : i32
    %convert_element_type3A = arith.sitofp %sub3A_96 : i32 to f32
    %mul3A_97 = arith.mulf %convert_element_type3A, %reduce_max3A_73 : f32
    %add3A_98 = arith.addf %reduce_sum3A_95, %mul3A_97 : f32
    %mul3A_99 = arith.constant 3.906250e-03 : f32
    %mul3A_100 = arith.mulf %add3A_98, %mul3A_99 : f32
    %eq3A = arith.constant 0 : i32
    %eq3A_101 = vector.broadcast %eq3A : i32 to vector<16xi32>
    %eq3A_102 = arith.cmpi eq, %iota3A, %eq3A_101 : vector<16xi32>
    %jit3A = arith.constant 0.000000e+00 : f32
    %broadcast_in_dim3A_103 = vector.broadcast %mul3A_100 : f32 to vector<16xf32>
    %broadcast_in_dim3A_104 = vector.broadcast %jit3A : f32 to vector<16xf32>
    %select_n3A_105 = arith.select %eq3A_102, %broadcast_in_dim3A_103, %broadcast_in_dim3A_104 : vector<16xi1>, vector<16xf32>
    %swap3A_106 = arith.constant 0 : index
    %swap3A_107 = tpu.vector_load %arg7[%swap3A_106] {strides = array<i32>} : memref<16xf32, #tpu.memory_space<vmem>>, vector<16xf32>,
    tpu.vector_store %arg7[%swap3A_106], %select_n3A_105 {strides = array<i32>} : memref<16xf32, #tpu.memory_space<vmem>>, vector<16xf32>,
    %mul3A_108 = arith.constant 2 : i32
    %mul3A_109 = arith.muli %add3A, %mul3A_108 : i32
    %add3A_110 = arith.constant 1 : i32
    %add3A_111 = arith.addi %mul3A_109, %add3A_110 : i32
    %swap3A_112 = arith.constant 0 : i32
    %swap3A_113 = arith.constant 0 : i32
    %swap3A_114 = arith.index_cast %swap3A_113 : i32 to index
    %swap3A_115 = memref.load %arg8[%swap3A_114] : memref<1xi32, #tpu.memory_space<smem>>
    memref.store %swap3A_112, %arg8[%swap3A_114] : memref<1xi32, #tpu.memory_space<smem>>
    %swap3A_116 = arith.constant 0 : i32
    %swap3A_117 = arith.constant 0 : i32
    %swap3A_118 = arith.index_cast %swap3A_117 : i32 to index
    %swap3A_119 = memref.load %arg9[%swap3A_118] : memref<1xi32, #tpu.memory_space<smem>>
    memref.store %swap3A_116, %arg9[%swap3A_118] : memref<1xi32, #tpu.memory_space<smem>>
    %broadcast_in_dim3A_120 = arith.constant 0xFF800000 : f32
    %broadcast_in_dim3A_121 = vector.broadcast %broadcast_in_dim3A_120 : f32 to vector<16xf32>
    %mul3A_122 = arith.constant 64 : i32
    %mul3A_123 = arith.muli %add3A_111, %mul3A_122 : i32
    %dma_start3A_124 = arith.constant 0 : i32
    %dma_start3A_125 = arith.constant 0 : i32
    %dma_start3A_126 = tpu.memref_slice %arg4[%dma_start3A_125] : memref<32768xf32, #tpu.memory_space<vmem>> -> memref<16384xf32, #tpu.memory_space<vmem>>
    %dma_start3A_127 = arith.constant 0 : i32
    %dma_start3A_128 = tpu.memref_slice %arg2[%mul3A_123, %dma_start3A_127] : memref<4096x16384xf32, #tpu.memory_space<hbm>> -> memref<1x16384xf32, #tpu.memory_space<hbm>>
    %dma_start3A_129 = tpu.memref_squeeze %dma_start3A_128 : memref<1x16384xf32, #tpu.memory_space<hbm>> -> memref<16384xf32, #tpu.memory_space<hbm>>
    %dma_start3A_130 = tpu.memref_slice %arg10[%dma_start3A_124] : memref<2x!tpu.dma_semaphore, #tpu.memory_space<semaphore_mem>> -> memref<1x!tpu.dma_semaphore, #tpu.memory_space<semaphore_mem>>
    %dma_start3A_131 = tpu.memref_squeeze %dma_start3A_130 : memref<1x!tpu.dma_semaphore, #tpu.memory_space<semaphore_mem>> -> memref<!tpu.dma_semaphore, #tpu.memory_space<semaphore_mem>>
    %dma_start3A_132 = arith.constant 0 : i32
    %dma_start3A_133 = tpu.memref_slice %arg4[%dma_start3A_132] : memref<32768xf32, #tpu.memory_space<vmem>> -> memref<16384xf32, #tpu.memory_space<vmem>>
    %dma_start3A_134 = arith.constant 0 : i32
    %dma_start3A_135 = tpu.memref_slice %arg2[%mul3A_123, %dma_start3A_134] : memref<4096x16384xf32, #tpu.memory_space<hbm>> -> memref<1x16384xf32, #tpu.memory_space<hbm>>
    %dma_start3A_136 = tpu.memref_squeeze %dma_start3A_135 : memref<1x16384xf32, #tpu.memory_space<hbm>> -> memref<16384xf32, #tpu.memory_space<hbm>>
    tpu.enqueue_dma source(%dma_start3A_136 : memref<16384xf32, #tpu.memory_space<hbm>>) target(%dma_start3A_133 : memref<16384xf32, #tpu.memory_space<vmem>>) target_semaphore(%dma_start3A_131 : memref<!tpu.dma_semaphore, #tpu.memory_space<semaphore_mem>>)
    %scan3A_137 = arith.constant 0 : i32
    %scan3A_138 = arith.constant 64 : i32
    %scan3A_139 = arith.addi %scan3A_137, %scan3A_138 : i32
    %scan3A_140 = arith.constant 1 : i32
    %scan3A_141:2 = scf.for %scan3A_233 = %scan3A_137 to %scan3A_139 step %scan3A_140 iter_args(%scan3A_234 = %iota3A, %scan3A_235 = %broadcast_in_dim3A_121) -> (vector<16xi32>, vector<16xf32>)  : i32 {
      %jit3A_236 = arith.constant 2 : i32
      %eq3A_237 = arith.constant 0 : i32
      %eq3A_238 = arith.cmpi eq, %jit3A_236, %eq3A_237 : i32
      %jit3A_239 = arith.constant 1 : i32
      %select_n3A_240 = arith.select %eq3A_238, %jit3A_239, %jit3A_236 : i32
      %rem3A = arith.remsi %scan3A_233, %select_n3A_240 : i32
      %ne3A = arith.constant 0 : i32
      %ne3A_241 = arith.cmpi ne, %rem3A, %ne3A : i32
      %lt3A = arith.constant 0 : i32
      %lt3A_242 = arith.cmpi slt, %rem3A, %lt3A : i32
      %lt3A_243 = arith.constant 0 : i32
      %lt3A_244 = arith.cmpi slt, %select_n3A_240, %lt3A_243 : i32
      %ne3A_245 = arith.xori %lt3A_242, %lt3A_244 : i1
      %and3A_246 = arith.andi %ne3A_245, %ne3A_241 : i1
      %add3A_247 = arith.addi %rem3A, %select_n3A_240 : i32
      %select_n3A_248 = arith.select %and3A_246, %add3A_247, %rem3A : i32
      %mul3A_249 = arith.constant 16384 : i32
      %mul3A_250 = arith.muli %select_n3A_248, %mul3A_249 : i32
      %add3A_251 = arith.constant 1 : i32
      %add3A_252 = arith.addi %scan3A_233, %add3A_251 : i32
      %jit3A_253 = arith.constant 2 : i32
      %eq3A_254 = arith.constant 0 : i32
      %eq3A_255 = arith.cmpi eq, %jit3A_253, %eq3A_254 : i32
      %jit3A_256 = arith.constant 1 : i32
      %select_n3A_257 = arith.select %eq3A_255, %jit3A_256, %jit3A_253 : i32
      %rem3A_258 = arith.remsi %add3A_252, %select_n3A_257 : i32
      %ne3A_259 = arith.constant 0 : i32
      %ne3A_260 = arith.cmpi ne, %rem3A_258, %ne3A_259 : i32
      %lt3A_261 = arith.constant 0 : i32
      %lt3A_262 = arith.cmpi slt, %rem3A_258, %lt3A_261 : i32
      %lt3A_263 = arith.constant 0 : i32
      %lt3A_264 = arith.cmpi slt, %select_n3A_257, %lt3A_263 : i32
      %ne3A_265 = arith.xori %lt3A_262, %lt3A_264 : i1
      %and3A_266 = arith.andi %ne3A_265, %ne3A_260 : i1
      %add3A_267 = arith.addi %rem3A_258, %select_n3A_257 : i32
      %select_n3A_268 = arith.select %and3A_266, %add3A_267, %rem3A_258 : i32
      %mul3A_269 = arith.constant 16384 : i32
      %mul3A_270 = arith.muli %select_n3A_268, %mul3A_269 : i32
      %add3A_271 = arith.constant 1 : i32
      %add3A_272 = arith.addi %scan3A_233, %add3A_271 : i32
      %lt3A_273 = arith.constant 64 : i32
      %lt3A_274 = arith.cmpi slt, %add3A_272, %lt3A_273 : i32
      %convert_element_type3A_275 = arith.extui %lt3A_274 : i1 to i32
      %cond3A = arith.constant 0 : i32
      %cond3A_276 = arith.cmpi ne, %convert_element_type3A_275, %cond3A : i32
      scf.if %cond3A_276 {
        %mul3A_311 = arith.constant 64 : i32
        %mul3A_312 = arith.muli %add3A_111, %mul3A_311 : i32
        %add3A_313 = arith.addi %mul3A_312, %scan3A_233 : i32
        %add3A_314 = arith.constant 1 : i32
        %add3A_315 = arith.addi %add3A_313, %add3A_314 : i32
        %add3A_316 = arith.constant 1 : i32
        %add3A_317 = arith.addi %scan3A_233, %add3A_316 : i32
        %jit3A_318 = arith.constant 2 : i32
        %eq3A_319 = arith.constant 0 : i32
        %eq3A_320 = arith.cmpi eq, %jit3A_318, %eq3A_319 : i32
        %jit3A_321 = arith.constant 1 : i32
        %select_n3A_322 = arith.select %eq3A_320, %jit3A_321, %jit3A_318 : i32
        %rem3A_323 = arith.remsi %add3A_317, %select_n3A_322 : i32
        %ne3A_324 = arith.constant 0 : i32
        %ne3A_325 = arith.cmpi ne, %rem3A_323, %ne3A_324 : i32
        %lt3A_326 = arith.constant 0 : i32
        %lt3A_327 = arith.cmpi slt, %rem3A_323, %lt3A_326 : i32
        %lt3A_328 = arith.constant 0 : i32
        %lt3A_329 = arith.cmpi slt, %select_n3A_322, %lt3A_328 : i32
        %ne3A_330 = arith.xori %lt3A_327, %lt3A_329 : i1
        %and3A_331 = arith.andi %ne3A_330, %ne3A_325 : i1
        %add3A_332 = arith.addi %rem3A_323, %select_n3A_322 : i32
        %select_n3A_333 = arith.select %and3A_331, %add3A_332, %rem3A_323 : i32
        %dma_start3A_334 = tpu.memref_slice %arg4[%mul3A_270] : memref<32768xf32, #tpu.memory_space<vmem>> -> memref<16384xf32, #tpu.memory_space<vmem>>
        %dma_start3A_335 = arith.constant 0 : i32
        %dma_start3A_336 = tpu.memref_slice %arg2[%add3A_315, %dma_start3A_335] : memref<4096x16384xf32, #tpu.memory_space<hbm>> -> memref<1x16384xf32, #tpu.memory_space<hbm>>
        %dma_start3A_337 = tpu.memref_squeeze %dma_start3A_336 : memref<1x16384xf32, #tpu.memory_space<hbm>> -> memref<16384xf32, #tpu.memory_space<hbm>>
        %dma_start3A_338 = tpu.memref_slice %arg10[%select_n3A_333] : memref<2x!tpu.dma_semaphore, #tpu.memory_space<semaphore_mem>> -> memref<1x!tpu.dma_semaphore, #tpu.memory_space<semaphore_mem>>
        %dma_start3A_339 = tpu.memref_squeeze %dma_start3A_338 : memref<1x!tpu.dma_semaphore, #tpu.memory_space<semaphore_mem>> -> memref<!tpu.dma_semaphore, #tpu.memory_space<semaphore_mem>>
        %dma_start3A_340 = tpu.memref_slice %arg4[%mul3A_270] : memref<32768xf32, #tpu.memory_space<vmem>> -> memref<16384xf32, #tpu.memory_space<vmem>>
        %dma_start3A_341 = arith.constant 0 : i32
        %dma_start3A_342 = tpu.memref_slice %arg2[%add3A_315, %dma_start3A_341] : memref<4096x16384xf32, #tpu.memory_space<hbm>> -> memref<1x16384xf32, #tpu.memory_space<hbm>>
        %dma_start3A_343 = tpu.memref_squeeze %dma_start3A_342 : memref<1x16384xf32, #tpu.memory_space<hbm>> -> memref<16384xf32, #tpu.memory_space<hbm>>
        tpu.enqueue_dma source(%dma_start3A_343 : memref<16384xf32, #tpu.memory_space<hbm>>) target(%dma_start3A_340 : memref<16384xf32, #tpu.memory_space<vmem>>) target_semaphore(%dma_start3A_339 : memref<!tpu.dma_semaphore, #tpu.memory_space<semaphore_mem>>)
      } else {
      }
      %mul3A_277 = arith.constant 64 : i32
      %mul3A_278 = arith.muli %add3A_111, %mul3A_277 : i32
      %add3A_279 = arith.addi %mul3A_278, %scan3A_233 : i32
      %jit3A_280 = arith.constant 2 : i32
      %eq3A_281 = arith.constant 0 : i32
      %eq3A_282 = arith.cmpi eq, %jit3A_280, %eq3A_281 : i32
      %jit3A_283 = arith.constant 1 : i32
      %select_n3A_284 = arith.select %eq3A_282, %jit3A_283, %jit3A_280 : i32
      %rem3A_285 = arith.remsi %scan3A_233, %select_n3A_284 : i32
      %ne3A_286 = arith.constant 0 : i32
      %ne3A_287 = arith.cmpi ne, %rem3A_285, %ne3A_286 : i32
      %lt3A_288 = arith.constant 0 : i32
      %lt3A_289 = arith.cmpi slt, %rem3A_285, %lt3A_288 : i32
      %lt3A_290 = arith.constant 0 : i32
      %lt3A_291 = arith.cmpi slt, %select_n3A_284, %lt3A_290 : i32
      %ne3A_292 = arith.xori %lt3A_289, %lt3A_291 : i1
      %and3A_293 = arith.andi %ne3A_292, %ne3A_287 : i1
      %add3A_294 = arith.addi %rem3A_285, %select_n3A_284 : i32
      %select_n3A_295 = arith.select %and3A_293, %add3A_294, %rem3A_285 : i32
      %dma_wait3A = tpu.memref_slice %arg4[%mul3A_250] : memref<32768xf32, #tpu.memory_space<vmem>> -> memref<16384xf32, #tpu.memory_space<vmem>>
      %dma_wait3A_296 = arith.constant 0 : i32
      %dma_wait3A_297 = tpu.memref_slice %arg2[%add3A_279, %dma_wait3A_296] : memref<4096x16384xf32, #tpu.memory_space<hbm>> -> memref<1x16384xf32, #tpu.memory_space<hbm>>
      %dma_wait3A_298 = tpu.memref_squeeze %dma_wait3A_297 : memref<1x16384xf32, #tpu.memory_space<hbm>> -> memref<16384xf32, #tpu.memory_space<hbm>>
      %dma_wait3A_299 = tpu.memref_slice %arg10[%select_n3A_295] : memref<2x!tpu.dma_semaphore, #tpu.memory_space<semaphore_mem>> -> memref<1x!tpu.dma_semaphore, #tpu.memory_space<semaphore_mem>>
      %dma_wait3A_300 = tpu.memref_squeeze %dma_wait3A_299 : memref<1x!tpu.dma_semaphore, #tpu.memory_space<semaphore_mem>> -> memref<!tpu.dma_semaphore, #tpu.memory_space<semaphore_mem>>
      %dma_wait3A_301 = tpu.memref_slice %arg4[%mul3A_250] : memref<32768xf32, #tpu.memory_space<vmem>> -> memref<16384xf32, #tpu.memory_space<vmem>>
      %dma_wait3A_302 = arith.constant 0 : i32
      %dma_wait3A_303 = tpu.memref_slice %arg2[%add3A_279, %dma_wait3A_302] : memref<4096x16384xf32, #tpu.memory_space<hbm>> -> memref<1x16384xf32, #tpu.memory_space<hbm>>
      %dma_wait3A_304 = tpu.memref_squeeze %dma_wait3A_303 : memref<1x16384xf32, #tpu.memory_space<hbm>> -> memref<16384xf32, #tpu.memory_space<hbm>>
      tpu.wait_dma2 semaphore(%dma_wait3A_300 : memref<!tpu.dma_semaphore, #tpu.memory_space<semaphore_mem>>) src(%dma_wait3A_304 : memref<16384xf32, #tpu.memory_space<hbm>>) dst(%dma_wait3A_301 : memref<16384xf32, #tpu.memory_space<vmem>>)
      %scan3A_305 = arith.constant 0 : i32
      %scan3A_306 = arith.constant 2 : i32
      %scan3A_307 = arith.addi %scan3A_305, %scan3A_306 : i32
      %scan3A_308 = arith.constant 1 : i32
      %scan3A_309:2 = scf.for %scan3A_311 = %scan3A_305 to %scan3A_307 step %scan3A_308 iter_args(%scan3A_312 = %scan3A_234, %scan3A_313 = %scan3A_235) -> (vector<16xi32>, vector<16xf32>)  : i32 {
        %parallel_loop3A = arith.constant 0 : i32
        %parallel_loop3A_314 = arith.constant 512 : i32
        %parallel_loop3A_315 = arith.constant 1 : i32
        %parallel_loop3A_316:2 = scf.for %parallel_loop3A_330 = %parallel_loop3A to %parallel_loop3A_314 step %parallel_loop3A_315 iter_args(%parallel_loop3A_331 = %scan3A_312, %parallel_loop3A_332 = %scan3A_313) -> (vector<16xi32>, vector<16xf32>)  : i32 {
          %parallel_loop3A_333 = arith.constant 512 : i32
          %parallel_loop3A_334 = arith.muli %scan3A_311, %parallel_loop3A_333 : i32
          %parallel_loop3A_335 = arith.addi %parallel_loop3A_334, %parallel_loop3A_330 : i32
          %parallel_loop3A_336 = arith.constant 16 : i32
          %parallel_loop3A_337 = arith.muli %parallel_loop3A_335, %parallel_loop3A_336 : i32
          %parallel_loop3A_338 = tpu.memref_slice %arg4[%mul3A_250] : memref<32768xf32, #tpu.memory_space<vmem>> -> memref<16384xf32, #tpu.memory_space<vmem>>
          %parallel_loop3A_339 = arith.index_cast %parallel_loop3A_337 : i32 to index
          %parallel_loop3A_340 = tpu.vector_load %parallel_loop3A_338[%parallel_loop3A_339] {strides = array<i32>} : memref<16384xf32, #tpu.memory_space<vmem>>, vector<16xf32>,
          %parallel_loop3A_341 = arith.cmpf ogt, %parallel_loop3A_340, %parallel_loop3A_332 : vector<16xf32>
          tpu.vector_store_idx %arg5[%parallel_loop3A_331], %parallel_loop3A_340 masked %parallel_loop3A_341 : memref<12288xf32, #tpu.memory_space<vmem>>[vector<16xi32>], vector<16xf32>, vector<16xi1>
          %parallel_loop3A_342 = arith.constant 16 : i32
          %parallel_loop3A_343 = arith.constant 0 : i32
          %parallel_loop3A_344 = vector.broadcast %parallel_loop3A_342 : i32 to vector<16xi32>
          %parallel_loop3A_345 = vector.broadcast %parallel_loop3A_343 : i32 to vector<16xi32>
          %parallel_loop3A_346 = arith.select %parallel_loop3A_341, %parallel_loop3A_344, %parallel_loop3A_345 : vector<16xi1>, vector<16xi32>
          %parallel_loop3A_347 = arith.addi %parallel_loop3A_331, %parallel_loop3A_346 : vector<16xi32>
          scf.yield %parallel_loop3A_347, %parallel_loop3A_332 : vector<16xi32>, vector<16xf32>
        } {sc.loop_unroll_factor = 16 : i64, sc.parallel_access}
        %reduce_max3A_317 = arith.constant true
        %reduce_max3A_318 = vector.broadcast %reduce_max3A_317 : i1 to vector<16xi1>
        %reduce_max3A_319 = arith.constant -2147483648 : i32
        %reduce_max3A_320 = vector.broadcast %reduce_max3A_319 : i32 to vector<16xi32>
        %reduce_max3A_321 = arith.xori %parallel_loop3A_316#0, %reduce_max3A_320 : vector<16xi32>
        %reduce_max3A_322 = tpu.scan <max>, %reduce_max3A_321 masked %reduce_max3A_318 : vector<16xi32>, vector<16xi1> -> vector<16xi32>
        %reduce_max3A_323 = arith.xori %reduce_max3A_322, %reduce_max3A_320 : vector<16xi32>
        %reduce_max3A_324 = vector.extract %reduce_max3A_323[15] : i32 from vector<16xi32>
        %gt3A = arith.constant 4096 : i32
        %gt3A_325 = arith.cmpi sgt, %reduce_max3A_324, %gt3A : i32
        %convert_element_type3A_326 = arith.extui %gt3A_325 : i1 to i32
        %cond3A_327 = arith.constant 0 : i32
        %cond3A_328 = arith.cmpi ne, %convert_element_type3A_326, %cond3A_327 : i32
        %cond3A_329:2 = scf.if %cond3A_328 -> (vector<16xi32>, vector<16xf32>) {
          %shift_right_logical3A_330 = arith.constant 4 : i32
          %shift_right_logical3A_331 = vector.broadcast %shift_right_logical3A_330 : i32 to vector<16xi32>
          %shift_right_logical3A_332 = arith.shrui %parallel_loop3A_316#0, %shift_right_logical3A_331 : vector<16xi32>
          %reduce_max3A_333 = arith.constant true
          %reduce_max3A_334 = vector.broadcast %reduce_max3A_333 : i1 to vector<16xi1>
          %reduce_max3A_335 = arith.constant -2147483648 : i32
          %reduce_max3A_336 = vector.broadcast %reduce_max3A_335 : i32 to vector<16xi32>
          %reduce_max3A_337 = arith.xori %shift_right_logical3A_332, %reduce_max3A_336 : vector<16xi32>
          %reduce_max3A_338 = tpu.scan <max>, %reduce_max3A_337 masked %reduce_max3A_334 : vector<16xi32>, vector<16xi1> -> vector<16xi32>
          %reduce_max3A_339 = arith.xori %reduce_max3A_338, %reduce_max3A_336 : vector<16xi32>
          %reduce_max3A_340 = vector.extract %reduce_max3A_339[15] : i32 from vector<16xi32>
          %while3A_341 = arith.constant 0 : i32
          %while3A_342 = arith.constant 0 : i32
          %while3A_343 = arith.subi %reduce_max3A_340, %while3A_341 : i32
          %while3A_344 = arith.addi %while3A_341, %while3A_343 : i32
          %while3A_345 = arith.constant 1 : i32
          %while3A_346 = arith.divsi %while3A_343, %while3A_345 : i32
          %while3A_347 = arith.muli %while3A_346, %while3A_345 : i32
          %while3A_348 = arith.addi %while3A_341, %while3A_347 : i32
          %while3A_349 = arith.constant 1 : i32
          %while3A_350 = scf.for %while3A_403 = %while3A_341 to %while3A_348 step %while3A_349 iter_args(%while3A_404 = %while3A_342) -> (i32)  : i32 {
            %mul3A_405 = arith.constant 16 : i32
            %mul3A_406 = arith.muli %while3A_403, %mul3A_405 : i32
            %get3A_407 = arith.index_cast %mul3A_406 : i32 to index
            %get3A_408 = tpu.vector_load %arg5[%get3A_407] {strides = array<i32>} : memref<12288xf32, #tpu.memory_space<vmem>>, vector<16xf32>,
            %lt3A_409 = vector.broadcast %while3A_403 : i32 to vector<16xi32>
            %lt3A_410 = arith.cmpi slt, %lt3A_409, %shift_right_logical3A_332 : vector<16xi32>
            %bitcast_convert_type3A_411 = tpu.bitcast %get3A_408 : vector<16xf32> -> vector<16xi32>
            %ge3A_412 = arith.constant -2147483648 : i32
            %ge3A_413 = vector.broadcast %ge3A_412 : i32 to vector<16xi32>
            %ge3A_414 = arith.cmpi uge, %bitcast_convert_type3A_411, %ge3A_413 : vector<16xi32>
            %not3A_415 = arith.constant dense<-1> : vector<16xi32>
            %not3A_416 = arith.xori %bitcast_convert_type3A_411, %not3A_415 : vector<16xi32>
            %or3A = arith.constant -2147483648 : i32
            %or3A_417 = vector.broadcast %or3A : i32 to vector<16xi32>
            %or3A_418 = arith.ori %bitcast_convert_type3A_411, %or3A_417 : vector<16xi32>
            %select_n3A_419 = arith.select %ge3A_414, %not3A_416, %or3A_418 : vector<16xi1>, vector<16xi32>
            %jit3A_420 = arith.constant 0 : i32
            %broadcast_in_dim3A_421 = vector.broadcast %jit3A_420 : i32 to vector<16xi32>
            %select_n3A_422 = arith.select %lt3A_410, %select_n3A_419, %broadcast_in_dim3A_421 : vector<16xi1>, vector<16xi32>
            %mul3A_423 = arith.constant 16 : i32
            %mul3A_424 = arith.muli %while3A_403, %mul3A_423 : i32
            %swap3A_425 = arith.index_cast %mul3A_424 : i32 to index
            %swap3A_426 = tpu.vector_load %arg6[%swap3A_425] {strides = array<i32>} : memref<12288xi32, #tpu.memory_space<vmem>>, vector<16xi32>,
            tpu.vector_store %arg6[%swap3A_425], %select_n3A_422 {strides = array<i32>} : memref<12288xi32, #tpu.memory_space<vmem>>, vector<16xi32>,
            %while3A_427 = arith.constant 0 : i32
            scf.yield %while3A_427 : i32
          }
          %while3A_351 = arith.constant 1 : i32
          %while3A_352 = scf.for %while3A_403 = %while3A_348 to %while3A_344 step %while3A_351 iter_args(%while3A_404 = %while3A_350) -> (i32)  : i32 {
            %mul3A_405 = arith.constant 16 : i32
            %mul3A_406 = arith.muli %while3A_403, %mul3A_405 : i32
            %get3A_407 = arith.index_cast %mul3A_406 : i32 to index
            %get3A_408 = tpu.vector_load %arg5[%get3A_407] {strides = array<i32>} : memref<12288xf32, #tpu.memory_space<vmem>>, vector<16xf32>,
            %lt3A_409 = vector.broadcast %while3A_403 : i32 to vector<16xi32>
            %lt3A_410 = arith.cmpi slt, %lt3A_409, %shift_right_logical3A_332 : vector<16xi32>
            %bitcast_convert_type3A_411 = tpu.bitcast %get3A_408 : vector<16xf32> -> vector<16xi32>
            %ge3A_412 = arith.constant -2147483648 : i32
            %ge3A_413 = vector.broadcast %ge3A_412 : i32 to vector<16xi32>
            %ge3A_414 = arith.cmpi uge, %bitcast_convert_type3A_411, %ge3A_413 : vector<16xi32>
            %not3A_415 = arith.constant dense<-1> : vector<16xi32>
            %not3A_416 = arith.xori %bitcast_convert_type3A_411, %not3A_415 : vector<16xi32>
            %or3A = arith.constant -2147483648 : i32
            %or3A_417 = vector.broadcast %or3A : i32 to vector<16xi32>
            %or3A_418 = arith.ori %bitcast_convert_type3A_411, %or3A_417 : vector<16xi32>
            %select_n3A_419 = arith.select %ge3A_414, %not3A_416, %or3A_418 : vector<16xi1>, vector<16xi32>
            %jit3A_420 = arith.constant 0 : i32
            %broadcast_in_dim3A_421 = vector.broadcast %jit3A_420 : i32 to vector<16xi32>
            %select_n3A_422 = arith.select %lt3A_410, %select_n3A_419, %broadcast_in_dim3A_421 : vector<16xi1>, vector<16xi32>
            %mul3A_423 = arith.constant 16 : i32
            %mul3A_424 = arith.muli %while3A_403, %mul3A_423 : i32
            %swap3A_425 = arith.index_cast %mul3A_424 : i32 to index
            %swap3A_426 = tpu.vector_load %arg6[%swap3A_425] {strides = array<i32>} : memref<12288xi32, #tpu.memory_space<vmem>>, vector<16xi32>,
            tpu.vector_store %arg6[%swap3A_425], %select_n3A_422 {strides = array<i32>} : memref<12288xi32, #tpu.memory_space<vmem>>, vector<16xi32>,
            %while3A_427 = arith.constant 0 : i32
            scf.yield %while3A_427 : i32
          }
          %get3A_353 = arith.constant 0 : i32
          %get3A_354 = arith.index_cast %get3A_353 : i32 to index
          %get3A_355 = memref.load %arg8[%get3A_354] : memref<1xi32, #tpu.memory_space<smem>>
          %get3A_356 = arith.constant 0 : i32
          %get3A_357 = arith.index_cast %get3A_356 : i32 to index
          %get3A_358 = memref.load %arg9[%get3A_357] : memref<1xi32, #tpu.memory_space<smem>>
          %scan3A_359 = arith.constant 0 : i32
          %scan3A_360 = arith.constant 0 : i32
          %scan3A_361 = arith.constant 32 : i32
          %scan3A_362 = arith.addi %scan3A_360, %scan3A_361 : i32
          %scan3A_363 = arith.constant 1 : i32
          %scan3A_364 = scf.for %scan3A_403 = %scan3A_360 to %scan3A_362 step %scan3A_363 iter_args(%scan3A_404 = %scan3A_359) -> (i32)  : i32 {
            %sub3A_405 = arith.constant 31 : i32
            %sub3A_406 = arith.subi %sub3A_405, %scan3A_403 : i32
            %shift_left3A = arith.constant 1 : i32
            %shift_left3A_407 = arith.shli %shift_left3A, %sub3A_406 : i32
            %or3A = arith.ori %scan3A_404, %shift_left3A_407 : i32
            %broadcast_in_dim3A_408 = arith.constant 0 : i32
            %broadcast_in_dim3A_409 = vector.broadcast %broadcast_in_dim3A_408 : i32 to vector<16xi32>
            %while3A_410 = arith.constant 0 : i32
            %while3A_411 = arith.subi %reduce_max3A_340, %while3A_410 : i32
            %while3A_412 = arith.addi %while3A_410, %while3A_411 : i32
            %while3A_413 = arith.constant 1 : i32
            %while3A_414 = arith.divsi %while3A_411, %while3A_413 : i32
            %while3A_415 = arith.muli %while3A_414, %while3A_413 : i32
            %while3A_416 = arith.addi %while3A_410, %while3A_415 : i32
            %while3A_417 = arith.constant 1 : i32
            %while3A_418 = scf.for %while3A_432 = %while3A_410 to %while3A_416 step %while3A_417 iter_args(%while3A_433 = %broadcast_in_dim3A_409) -> (vector<16xi32>)  : i32 {
              %mul3A_434 = arith.constant 16 : i32
              %mul3A_435 = arith.muli %while3A_432, %mul3A_434 : i32
              %get3A_436 = arith.index_cast %mul3A_435 : i32 to index
              %get3A_437 = tpu.vector_load %arg6[%get3A_436] {strides = array<i32>} : memref<12288xi32, #tpu.memory_space<vmem>>, vector<16xi32>,
              %ge3A_438 = vector.broadcast %or3A : i32 to vector<16xi32>
              %ge3A_439 = arith.cmpi uge, %get3A_437, %ge3A_438 : vector<16xi32>
              %convert_element_type3A_440 = arith.extui %ge3A_439 : vector<16xi1> to vector<16xi32>
              %add3A_441 = arith.addi %while3A_433, %convert_element_type3A_440 : vector<16xi32>
              scf.yield %add3A_441 : vector<16xi32>
            }
            %while3A_419 = arith.constant 1 : i32
            %while3A_420 = scf.for %while3A_432 = %while3A_416 to %while3A_412 step %while3A_419 iter_args(%while3A_433 = %while3A_418) -> (vector<16xi32>)  : i32 {
              %mul3A_434 = arith.constant 16 : i32
              %mul3A_435 = arith.muli %while3A_432, %mul3A_434 : i32
              %get3A_436 = arith.index_cast %mul3A_435 : i32 to index
              %get3A_437 = tpu.vector_load %arg6[%get3A_436] {strides = array<i32>} : memref<12288xi32, #tpu.memory_space<vmem>>, vector<16xi32>,
              %ge3A_438 = vector.broadcast %or3A : i32 to vector<16xi32>
              %ge3A_439 = arith.cmpi uge, %get3A_437, %ge3A_438 : vector<16xi32>
              %convert_element_type3A_440 = arith.extui %ge3A_439 : vector<16xi1> to vector<16xi32>
              %add3A_441 = arith.addi %while3A_433, %convert_element_type3A_440 : vector<16xi32>
              scf.yield %add3A_441 : vector<16xi32>
            }
            %reduce_sum3A_421 = arith.constant true
            %reduce_sum3A_422 = vector.broadcast %reduce_sum3A_421 : i1 to vector<16xi1>
            %reduce_sum3A_423 = tpu.scan <sum>, %while3A_420 masked %reduce_sum3A_422 : vector<16xi32>, vector<16xi1> -> vector<16xi32>
            %reduce_sum3A_424 = vector.extract %reduce_sum3A_423[15] : i32 from vector<16xi32>
            %ge3A_425 = arith.cmpi uge, %get3A_358, %or3A : i32
            %jit3A_426 = arith.constant 0 : i32
            %select_n3A_427 = arith.select %ge3A_425, %get3A_355, %jit3A_426 : i32
            %add3A_428 = arith.addi %reduce_sum3A_424, %select_n3A_427 : i32
            %ge3A_429 = arith.constant 256 : i32
            %ge3A_430 = arith.cmpi sge, %add3A_428, %ge3A_429 : i32
            %select_n3A_431 = arith.select %ge3A_430, %or3A, %scan3A_404 : i32
            scf.yield %select_n3A_431 : i32
          }
          %scan3A_365 = arith.constant 32 : i32
          %broadcast_in_dim3A_366 = vector.broadcast %scan3A_364 : i32 to vector<16xi32>
          %ge3A_367 = arith.constant -2147483648 : i32
          %ge3A_368 = vector.broadcast %ge3A_367 : i32 to vector<16xi32>
          %ge3A_369 = arith.cmpi uge, %broadcast_in_dim3A_366, %ge3A_368 : vector<16xi32>
          %and3A_370 = arith.constant 2147483647 : i32
          %and3A_371 = vector.broadcast %and3A_370 : i32 to vector<16xi32>
          %and3A_372 = arith.andi %broadcast_in_dim3A_366, %and3A_371 : vector<16xi32>
          %not3A_373 = arith.constant dense<-1> : vector<16xi32>
          %not3A_374 = arith.xori %broadcast_in_dim3A_366, %not3A_373 : vector<16xi32>
          %select_n3A_375 = arith.select %ge3A_369, %and3A_372, %not3A_374 : vector<16xi1>, vector<16xi32>
          %bitcast_convert_type3A_376 = tpu.bitcast %select_n3A_375 : vector<16xi32> -> vector<16xf32>
          %while3A_377 = arith.constant 0 : i32
          %while3A_378 = arith.subi %reduce_max3A_340, %while3A_377 : i32
          %while3A_379 = arith.addi %while3A_377, %while3A_378 : i32
          %while3A_380 = arith.constant 1 : i32
          %while3A_381 = arith.divsi %while3A_378, %while3A_380 : i32
          %while3A_382 = arith.muli %while3A_381, %while3A_380 : i32
          %while3A_383 = arith.addi %while3A_377, %while3A_382 : i32
          %while3A_384 = arith.constant 1 : i32
          %while3A_385 = scf.for %while3A_403 = %while3A_377 to %while3A_383 step %while3A_384 iter_args(%while3A_404 = %iota3A) -> (vector<16xi32>)  : i32 {
            %mul3A_405 = arith.constant 16 : i32
            %mul3A_406 = arith.muli %while3A_403, %mul3A_405 : i32
            %get3A_407 = arith.index_cast %mul3A_406 : i32 to index
            %get3A_408 = tpu.vector_load %arg6[%get3A_407] {strides = array<i32>} : memref<12288xi32, #tpu.memory_space<vmem>>, vector<16xi32>,
            %mul3A_409 = arith.constant 16 : i32
            %mul3A_410 = arith.muli %while3A_403, %mul3A_409 : i32
            %get3A_411 = arith.index_cast %mul3A_410 : i32 to index
            %get3A_412 = tpu.vector_load %arg5[%get3A_411] {strides = array<i32>} : memref<12288xf32, #tpu.memory_space<vmem>>, vector<16xf32>,
            %gt3A_413 = vector.broadcast %scan3A_364 : i32 to vector<16xi32>
            %gt3A_414 = arith.cmpi ugt, %get3A_408, %gt3A_413 : vector<16xi32>
            tpu.vector_store_idx %arg5[%while3A_404], %get3A_412 masked %gt3A_414 : memref<12288xf32, #tpu.memory_space<vmem>>[vector<16xi32>], vector<16xf32>, vector<16xi1>
            %jit3A_415 = arith.constant 16 : i32
            %jit3A_416 = arith.constant 0 : i32
            %broadcast_in_dim3A_417 = vector.broadcast %jit3A_415 : i32 to vector<16xi32>
            %broadcast_in_dim3A_418 = vector.broadcast %jit3A_416 : i32 to vector<16xi32>
            %select_n3A_419 = arith.select %gt3A_414, %broadcast_in_dim3A_417, %broadcast_in_dim3A_418 : vector<16xi1>, vector<16xi32>
            %add3A_420 = arith.addi %while3A_404, %select_n3A_419 : vector<16xi32>
            scf.yield %add3A_420 : vector<16xi32>
          }
          %while3A_386 = arith.constant 1 : i32
          %while3A_387 = scf.for %while3A_403 = %while3A_383 to %while3A_379 step %while3A_386 iter_args(%while3A_404 = %while3A_385) -> (vector<16xi32>)  : i32 {
            %mul3A_405 = arith.constant 16 : i32
            %mul3A_406 = arith.muli %while3A_403, %mul3A_405 : i32
            %get3A_407 = arith.index_cast %mul3A_406 : i32 to index
            %get3A_408 = tpu.vector_load %arg6[%get3A_407] {strides = array<i32>} : memref<12288xi32, #tpu.memory_space<vmem>>, vector<16xi32>,
            %mul3A_409 = arith.constant 16 : i32
            %mul3A_410 = arith.muli %while3A_403, %mul3A_409 : i32
            %get3A_411 = arith.index_cast %mul3A_410 : i32 to index
            %get3A_412 = tpu.vector_load %arg5[%get3A_411] {strides = array<i32>} : memref<12288xf32, #tpu.memory_space<vmem>>, vector<16xf32>,
            %gt3A_413 = vector.broadcast %scan3A_364 : i32 to vector<16xi32>
            %gt3A_414 = arith.cmpi ugt, %get3A_408, %gt3A_413 : vector<16xi32>
            tpu.vector_store_idx %arg5[%while3A_404], %get3A_412 masked %gt3A_414 : memref<12288xf32, #tpu.memory_space<vmem>>[vector<16xi32>], vector<16xf32>, vector<16xi1>
            %jit3A_415 = arith.constant 16 : i32
            %jit3A_416 = arith.constant 0 : i32
            %broadcast_in_dim3A_417 = vector.broadcast %jit3A_415 : i32 to vector<16xi32>
            %broadcast_in_dim3A_418 = vector.broadcast %jit3A_416 : i32 to vector<16xi32>
            %select_n3A_419 = arith.select %gt3A_414, %broadcast_in_dim3A_417, %broadcast_in_dim3A_418 : vector<16xi1>, vector<16xi32>
            %add3A_420 = arith.addi %while3A_404, %select_n3A_419 : vector<16xi32>
            scf.yield %add3A_420 : vector<16xi32>
          }
          %shift_right_logical3A_388 = arith.constant 4 : i32
          %shift_right_logical3A_389 = vector.broadcast %shift_right_logical3A_388 : i32 to vector<16xi32>
          %shift_right_logical3A_390 = arith.shrui %while3A_387, %shift_right_logical3A_389 : vector<16xi32>
          %reduce_sum3A_391 = arith.constant true
          %reduce_sum3A_392 = vector.broadcast %reduce_sum3A_391 : i1 to vector<16xi1>
          %reduce_sum3A_393 = tpu.scan <sum>, %shift_right_logical3A_390 masked %reduce_sum3A_392 : vector<16xi32>, vector<16xi1> -> vector<16xi32>
          %reduce_sum3A_394 = vector.extract %reduce_sum3A_393[15] : i32 from vector<16xi32>
          %sub3A_395 = arith.constant 256 : i32
          %sub3A_396 = arith.subi %sub3A_395, %reduce_sum3A_394 : i32
          %swap3A_397 = arith.constant 0 : i32
          %swap3A_398 = arith.index_cast %swap3A_397 : i32 to index
          %swap3A_399 = memref.load %arg8[%swap3A_398] : memref<1xi32, #tpu.memory_space<smem>>
          memref.store %sub3A_396, %arg8[%swap3A_398] : memref<1xi32, #tpu.memory_space<smem>>
          %swap3A_400 = arith.constant 0 : i32
          %swap3A_401 = arith.index_cast %swap3A_400 : i32 to index
          %swap3A_402 = memref.load %arg9[%swap3A_401] : memref<1xi32, #tpu.memory_space<smem>>
          memref.store %scan3A_364, %arg9[%swap3A_401] : memref<1xi32, #tpu.memory_space<smem>>
          scf.yield %while3A_387, %bitcast_convert_type3A_376 : vector<16xi32>, vector<16xf32>
        } else {
          scf.yield %parallel_loop3A_316#0, %parallel_loop3A_316#1 : vector<16xi32>, vector<16xf32>
        }
        scf.yield %cond3A_329#0, %cond3A_329#1 : vector<16xi32>, vector<16xf32>
      }
      %scan3A_310 = arith.constant 2 : i32
      scf.yield %scan3A_309#0, %scan3A_309#1 : vector<16xi32>, vector<16xf32>
    }
    %scan3A_142 = arith.constant 64 : i32
    %shift_right_logical3A_143 = arith.constant 4 : i32
    %shift_right_logical3A_144 = vector.broadcast %shift_right_logical3A_143 : i32 to vector<16xi32>
    %shift_right_logical3A_145 = arith.shrui %scan3A_141#0, %shift_right_logical3A_144 : vector<16xi32>
    %reduce_max3A_146 = arith.constant true
    %reduce_max3A_147 = vector.broadcast %reduce_max3A_146 : i1 to vector<16xi1>
    %reduce_max3A_148 = arith.constant -2147483648 : i32
    %reduce_max3A_149 = vector.broadcast %reduce_max3A_148 : i32 to vector<16xi32>
    %reduce_max3A_150 = arith.xori %shift_right_logical3A_145, %reduce_max3A_149 : vector<16xi32>
    %reduce_max3A_151 = tpu.scan <max>, %reduce_max3A_150 masked %reduce_max3A_147 : vector<16xi32>, vector<16xi1> -> vector<16xi32>
    %reduce_max3A_152 = arith.xori %reduce_max3A_151, %reduce_max3A_149 : vector<16xi32>
    %reduce_max3A_153 = vector.extract %reduce_max3A_152[15] : i32 from vector<16xi32>
    %while3A_154 = arith.constant 0 : i32
    %while3A_155 = arith.constant 0 : i32
    %while3A_156 = arith.subi %reduce_max3A_153, %while3A_154 : i32
    %while3A_157 = arith.addi %while3A_154, %while3A_156 : i32
    %while3A_158 = arith.constant 1 : i32
    %while3A_159 = arith.divsi %while3A_156, %while3A_158 : i32
    %while3A_160 = arith.muli %while3A_159, %while3A_158 : i32
    %while3A_161 = arith.addi %while3A_154, %while3A_160 : i32
    %while3A_162 = arith.constant 1 : i32
    %while3A_163 = scf.for %while3A_233 = %while3A_154 to %while3A_161 step %while3A_162 iter_args(%while3A_234 = %while3A_155) -> (i32)  : i32 {
      %mul3A_235 = arith.constant 16 : i32
      %mul3A_236 = arith.muli %while3A_233, %mul3A_235 : i32
      %get3A_237 = arith.index_cast %mul3A_236 : i32 to index
      %get3A_238 = tpu.vector_load %arg5[%get3A_237] {strides = array<i32>} : memref<12288xf32, #tpu.memory_space<vmem>>, vector<16xf32>,
      %lt3A = vector.broadcast %while3A_233 : i32 to vector<16xi32>
      %lt3A_239 = arith.cmpi slt, %lt3A, %shift_right_logical3A_145 : vector<16xi32>
      %bitcast_convert_type3A_240 = tpu.bitcast %get3A_238 : vector<16xf32> -> vector<16xi32>
      %ge3A_241 = arith.constant -2147483648 : i32
      %ge3A_242 = vector.broadcast %ge3A_241 : i32 to vector<16xi32>
      %ge3A_243 = arith.cmpi uge, %bitcast_convert_type3A_240, %ge3A_242 : vector<16xi32>
      %not3A_244 = arith.constant dense<-1> : vector<16xi32>
      %not3A_245 = arith.xori %bitcast_convert_type3A_240, %not3A_244 : vector<16xi32>
      %or3A = arith.constant -2147483648 : i32
      %or3A_246 = vector.broadcast %or3A : i32 to vector<16xi32>
      %or3A_247 = arith.ori %bitcast_convert_type3A_240, %or3A_246 : vector<16xi32>
      %select_n3A_248 = arith.select %ge3A_243, %not3A_245, %or3A_247 : vector<16xi1>, vector<16xi32>
      %jit3A_249 = arith.constant 0 : i32
      %broadcast_in_dim3A_250 = vector.broadcast %jit3A_249 : i32 to vector<16xi32>
      %select_n3A_251 = arith.select %lt3A_239, %select_n3A_248, %broadcast_in_dim3A_250 : vector<16xi1>, vector<16xi32>
      %mul3A_252 = arith.constant 16 : i32
      %mul3A_253 = arith.muli %while3A_233, %mul3A_252 : i32
      %swap3A_254 = arith.index_cast %mul3A_253 : i32 to index
      %swap3A_255 = tpu.vector_load %arg6[%swap3A_254] {strides = array<i32>} : memref<12288xi32, #tpu.memory_space<vmem>>, vector<16xi32>,
      tpu.vector_store %arg6[%swap3A_254], %select_n3A_251 {strides = array<i32>} : memref<12288xi32, #tpu.memory_space<vmem>>, vector<16xi32>,
      %while3A_256 = arith.constant 0 : i32
      scf.yield %while3A_256 : i32
    }
    %while3A_164 = arith.constant 1 : i32
    %while3A_165 = scf.for %while3A_233 = %while3A_161 to %while3A_157 step %while3A_164 iter_args(%while3A_234 = %while3A_163) -> (i32)  : i32 {
      %mul3A_235 = arith.constant 16 : i32
      %mul3A_236 = arith.muli %while3A_233, %mul3A_235 : i32
      %get3A_237 = arith.index_cast %mul3A_236 : i32 to index
      %get3A_238 = tpu.vector_load %arg5[%get3A_237] {strides = array<i32>} : memref<12288xf32, #tpu.memory_space<vmem>>, vector<16xf32>,
      %lt3A = vector.broadcast %while3A_233 : i32 to vector<16xi32>
      %lt3A_239 = arith.cmpi slt, %lt3A, %shift_right_logical3A_145 : vector<16xi32>
      %bitcast_convert_type3A_240 = tpu.bitcast %get3A_238 : vector<16xf32> -> vector<16xi32>
      %ge3A_241 = arith.constant -2147483648 : i32
      %ge3A_242 = vector.broadcast %ge3A_241 : i32 to vector<16xi32>
      %ge3A_243 = arith.cmpi uge, %bitcast_convert_type3A_240, %ge3A_242 : vector<16xi32>
      %not3A_244 = arith.constant dense<-1> : vector<16xi32>
      %not3A_245 = arith.xori %bitcast_convert_type3A_240, %not3A_244 : vector<16xi32>
      %or3A = arith.constant -2147483648 : i32
      %or3A_246 = vector.broadcast %or3A : i32 to vector<16xi32>
      %or3A_247 = arith.ori %bitcast_convert_type3A_240, %or3A_246 : vector<16xi32>
      %select_n3A_248 = arith.select %ge3A_243, %not3A_245, %or3A_247 : vector<16xi1>, vector<16xi32>
      %jit3A_249 = arith.constant 0 : i32
      %broadcast_in_dim3A_250 = vector.broadcast %jit3A_249 : i32 to vector<16xi32>
      %select_n3A_251 = arith.select %lt3A_239, %select_n3A_248, %broadcast_in_dim3A_250 : vector<16xi1>, vector<16xi32>
      %mul3A_252 = arith.constant 16 : i32
      %mul3A_253 = arith.muli %while3A_233, %mul3A_252 : i32
      %swap3A_254 = arith.index_cast %mul3A_253 : i32 to index
      %swap3A_255 = tpu.vector_load %arg6[%swap3A_254] {strides = array<i32>} : memref<12288xi32, #tpu.memory_space<vmem>>, vector<16xi32>,
      tpu.vector_store %arg6[%swap3A_254], %select_n3A_251 {strides = array<i32>} : memref<12288xi32, #tpu.memory_space<vmem>>, vector<16xi32>,
      %while3A_256 = arith.constant 0 : i32
      scf.yield %while3A_256 : i32
    }
    %get3A_166 = arith.constant 0 : i32
    %get3A_167 = arith.index_cast %get3A_166 : i32 to index
    %get3A_168 = memref.load %arg8[%get3A_167] : memref<1xi32, #tpu.memory_space<smem>>
    %get3A_169 = arith.constant 0 : i32
    %get3A_170 = arith.index_cast %get3A_169 : i32 to index
    %get3A_171 = memref.load %arg9[%get3A_170] : memref<1xi32, #tpu.memory_space<smem>>
    %scan3A_172 = arith.constant 0 : i32
    %scan3A_173 = arith.constant 0 : i32
    %scan3A_174 = arith.constant 32 : i32
    %scan3A_175 = arith.addi %scan3A_173, %scan3A_174 : i32
    %scan3A_176 = arith.constant 1 : i32
    %scan3A_177 = scf.for %scan3A_233 = %scan3A_173 to %scan3A_175 step %scan3A_176 iter_args(%scan3A_234 = %scan3A_172) -> (i32)  : i32 {
      %sub3A_235 = arith.constant 31 : i32
      %sub3A_236 = arith.subi %sub3A_235, %scan3A_233 : i32
      %shift_left3A = arith.constant 1 : i32
      %shift_left3A_237 = arith.shli %shift_left3A, %sub3A_236 : i32
      %or3A = arith.ori %scan3A_234, %shift_left3A_237 : i32
      %broadcast_in_dim3A_238 = arith.constant 0 : i32
      %broadcast_in_dim3A_239 = vector.broadcast %broadcast_in_dim3A_238 : i32 to vector<16xi32>
      %while3A_240 = arith.constant 0 : i32
      %while3A_241 = arith.subi %reduce_max3A_153, %while3A_240 : i32
      %while3A_242 = arith.addi %while3A_240, %while3A_241 : i32
      %while3A_243 = arith.constant 1 : i32
      %while3A_244 = arith.divsi %while3A_241, %while3A_243 : i32
      %while3A_245 = arith.muli %while3A_244, %while3A_243 : i32
      %while3A_246 = arith.addi %while3A_240, %while3A_245 : i32
      %while3A_247 = arith.constant 1 : i32
      %while3A_248 = scf.for %while3A_262 = %while3A_240 to %while3A_246 step %while3A_247 iter_args(%while3A_263 = %broadcast_in_dim3A_239) -> (vector<16xi32>)  : i32 {
        %mul3A_264 = arith.constant 16 : i32
        %mul3A_265 = arith.muli %while3A_262, %mul3A_264 : i32
        %get3A_266 = arith.index_cast %mul3A_265 : i32 to index
        %get3A_267 = tpu.vector_load %arg6[%get3A_266] {strides = array<i32>} : memref<12288xi32, #tpu.memory_space<vmem>>, vector<16xi32>,
        %ge3A_268 = vector.broadcast %or3A : i32 to vector<16xi32>
        %ge3A_269 = arith.cmpi uge, %get3A_267, %ge3A_268 : vector<16xi32>
        %convert_element_type3A_270 = arith.extui %ge3A_269 : vector<16xi1> to vector<16xi32>
        %add3A_271 = arith.addi %while3A_263, %convert_element_type3A_270 : vector<16xi32>
        scf.yield %add3A_271 : vector<16xi32>
      }
      %while3A_249 = arith.constant 1 : i32
      %while3A_250 = scf.for %while3A_262 = %while3A_246 to %while3A_242 step %while3A_249 iter_args(%while3A_263 = %while3A_248) -> (vector<16xi32>)  : i32 {
        %mul3A_264 = arith.constant 16 : i32
        %mul3A_265 = arith.muli %while3A_262, %mul3A_264 : i32
        %get3A_266 = arith.index_cast %mul3A_265 : i32 to index
        %get3A_267 = tpu.vector_load %arg6[%get3A_266] {strides = array<i32>} : memref<12288xi32, #tpu.memory_space<vmem>>, vector<16xi32>,
        %ge3A_268 = vector.broadcast %or3A : i32 to vector<16xi32>
        %ge3A_269 = arith.cmpi uge, %get3A_267, %ge3A_268 : vector<16xi32>
        %convert_element_type3A_270 = arith.extui %ge3A_269 : vector<16xi1> to vector<16xi32>
        %add3A_271 = arith.addi %while3A_263, %convert_element_type3A_270 : vector<16xi32>
        scf.yield %add3A_271 : vector<16xi32>
      }
      %reduce_sum3A_251 = arith.constant true
      %reduce_sum3A_252 = vector.broadcast %reduce_sum3A_251 : i1 to vector<16xi1>
      %reduce_sum3A_253 = tpu.scan <sum>, %while3A_250 masked %reduce_sum3A_252 : vector<16xi32>, vector<16xi1> -> vector<16xi32>
      %reduce_sum3A_254 = vector.extract %reduce_sum3A_253[15] : i32 from vector<16xi32>
      %ge3A_255 = arith.cmpi uge, %get3A_171, %or3A : i32
      %jit3A_256 = arith.constant 0 : i32
      %select_n3A_257 = arith.select %ge3A_255, %get3A_168, %jit3A_256 : i32
      %add3A_258 = arith.addi %reduce_sum3A_254, %select_n3A_257 : i32
      %ge3A_259 = arith.constant 256 : i32
      %ge3A_260 = arith.cmpi sge, %add3A_258, %ge3A_259 : i32
      %select_n3A_261 = arith.select %ge3A_260, %or3A, %scan3A_234 : i32
      scf.yield %select_n3A_261 : i32
    }
    %scan3A_178 = arith.constant 32 : i32
    %broadcast_in_dim3A_179 = vector.broadcast %scan3A_177 : i32 to vector<16xi32>
    %ge3A_180 = arith.constant -2147483648 : i32
    %ge3A_181 = vector.broadcast %ge3A_180 : i32 to vector<16xi32>
    %ge3A_182 = arith.cmpi uge, %broadcast_in_dim3A_179, %ge3A_181 : vector<16xi32>
    %and3A_183 = arith.constant 2147483647 : i32
    %and3A_184 = vector.broadcast %and3A_183 : i32 to vector<16xi32>
    %and3A_185 = arith.andi %broadcast_in_dim3A_179, %and3A_184 : vector<16xi32>
    %not3A_186 = arith.constant dense<-1> : vector<16xi32>
    %not3A_187 = arith.xori %broadcast_in_dim3A_179, %not3A_186 : vector<16xi32>
    %select_n3A_188 = arith.select %ge3A_182, %and3A_185, %not3A_187 : vector<16xi1>, vector<16xi32>
    %bitcast_convert_type3A_189 = tpu.bitcast %select_n3A_188 : vector<16xi32> -> vector<16xf32>
    %reduce_max3A_190 = arith.constant true
    %reduce_max3A_191 = vector.broadcast %reduce_max3A_190 : i1 to vector<16xi1>
    %reduce_max3A_192 = tpu.scan <max>, %bitcast_convert_type3A_189 masked %reduce_max3A_191 : vector<16xf32>, vector<16xi1> -> vector<16xf32>
    %reduce_max3A_193 = vector.extract %reduce_max3A_192[15] : f32 from vector<16xf32>
    %broadcast_in_dim3A_194 = arith.constant 0 : i32
    %broadcast_in_dim3A_195 = vector.broadcast %broadcast_in_dim3A_194 : i32 to vector<16xi32>
    %broadcast_in_dim3A_196 = arith.constant 0.000000e+00 : f32
    %broadcast_in_dim3A_197 = vector.broadcast %broadcast_in_dim3A_196 : f32 to vector<16xf32>
    %while3A_198 = arith.constant 0 : i32
    %while3A_199 = arith.subi %reduce_max3A_153, %while3A_198 : i32
    %while3A_200 = arith.addi %while3A_198, %while3A_199 : i32
    %while3A_201 = arith.constant 1 : i32
    %while3A_202 = arith.divsi %while3A_199, %while3A_201 : i32
    %while3A_203 = arith.muli %while3A_202, %while3A_201 : i32
    %while3A_204 = arith.addi %while3A_198, %while3A_203 : i32
    %while3A_205 = arith.constant 1 : i32
    %while3A_206:2 = scf.for %while3A_233 = %while3A_198 to %while3A_204 step %while3A_205 iter_args(%while3A_234 = %broadcast_in_dim3A_195, %while3A_235 = %broadcast_in_dim3A_197) -> (vector<16xi32>, vector<16xf32>)  : i32 {
      %mul3A_236 = arith.constant 16 : i32
      %mul3A_237 = arith.muli %while3A_233, %mul3A_236 : i32
      %get3A_238 = arith.index_cast %mul3A_237 : i32 to index
      %get3A_239 = tpu.vector_load %arg6[%get3A_238] {strides = array<i32>} : memref<12288xi32, #tpu.memory_space<vmem>>, vector<16xi32>,
      %mul3A_240 = arith.constant 16 : i32
      %mul3A_241 = arith.muli %while3A_233, %mul3A_240 : i32
      %get3A_242 = arith.index_cast %mul3A_241 : i32 to index
      %get3A_243 = tpu.vector_load %arg5[%get3A_242] {strides = array<i32>} : memref<12288xf32, #tpu.memory_space<vmem>>, vector<16xf32>,
      %gt3A = vector.broadcast %scan3A_177 : i32 to vector<16xi32>
      %gt3A_244 = arith.cmpi ugt, %get3A_239, %gt3A : vector<16xi32>
      %convert_element_type3A_245 = arith.extui %gt3A_244 : vector<16xi1> to vector<16xi32>
      %add3A_246 = arith.addi %while3A_234, %convert_element_type3A_245 : vector<16xi32>
      %jit3A_247 = arith.constant 0.000000e+00 : f32
      %broadcast_in_dim3A_248 = vector.broadcast %jit3A_247 : f32 to vector<16xf32>
      %select_n3A_249 = arith.select %gt3A_244, %get3A_243, %broadcast_in_dim3A_248 : vector<16xi1>, vector<16xf32>
      %add3A_250 = arith.addf %while3A_235, %select_n3A_249 : vector<16xf32>
      scf.yield %add3A_246, %add3A_250 : vector<16xi32>, vector<16xf32>
    }
    %while3A_207 = arith.constant 1 : i32
    %while3A_208:2 = scf.for %while3A_233 = %while3A_204 to %while3A_200 step %while3A_207 iter_args(%while3A_234 = %while3A_206#0, %while3A_235 = %while3A_206#1) -> (vector<16xi32>, vector<16xf32>)  : i32 {
      %mul3A_236 = arith.constant 16 : i32
      %mul3A_237 = arith.muli %while3A_233, %mul3A_236 : i32
      %get3A_238 = arith.index_cast %mul3A_237 : i32 to index
      %get3A_239 = tpu.vector_load %arg6[%get3A_238] {strides = array<i32>} : memref<12288xi32, #tpu.memory_space<vmem>>, vector<16xi32>,
      %mul3A_240 = arith.constant 16 : i32
      %mul3A_241 = arith.muli %while3A_233, %mul3A_240 : i32
      %get3A_242 = arith.index_cast %mul3A_241 : i32 to index
      %get3A_243 = tpu.vector_load %arg5[%get3A_242] {strides = array<i32>} : memref<12288xf32, #tpu.memory_space<vmem>>, vector<16xf32>,
      %gt3A = vector.broadcast %scan3A_177 : i32 to vector<16xi32>
      %gt3A_244 = arith.cmpi ugt, %get3A_239, %gt3A : vector<16xi32>
      %convert_element_type3A_245 = arith.extui %gt3A_244 : vector<16xi1> to vector<16xi32>
      %add3A_246 = arith.addi %while3A_234, %convert_element_type3A_245 : vector<16xi32>
      %jit3A_247 = arith.constant 0.000000e+00 : f32
      %broadcast_in_dim3A_248 = vector.broadcast %jit3A_247 : f32 to vector<16xf32>
      %select_n3A_249 = arith.select %gt3A_244, %get3A_243, %broadcast_in_dim3A_248 : vector<16xi1>, vector<16xf32>
      %add3A_250 = arith.addf %while3A_235, %select_n3A_249 : vector<16xf32>
      scf.yield %add3A_246, %add3A_250 : vector<16xi32>, vector<16xf32>
    }
    %reduce_sum3A_209 = arith.constant true
    %reduce_sum3A_210 = vector.broadcast %reduce_sum3A_209 : i1 to vector<16xi1>
    %reduce_sum3A_211 = tpu.scan <sum>, %while3A_208#0 masked %reduce_sum3A_210 : vector<16xi32>, vector<16xi1> -> vector<16xi32>
    %reduce_sum3A_212 = vector.extract %reduce_sum3A_211[15] : i32 from vector<16xi32>
    %reduce_sum3A_213 = arith.constant true
    %reduce_sum3A_214 = vector.broadcast %reduce_sum3A_213 : i1 to vector<16xi1>
    %reduce_sum3A_215 = tpu.scan <sum>, %while3A_208#1 masked %reduce_sum3A_214 : vector<16xf32>, vector<16xi1> -> vector<16xf32>
    %reduce_sum3A_216 = vector.extract %reduce_sum3A_215[15] : f32 from vector<16xf32>
    %sub3A_217 = arith.constant 256 : i32
    %sub3A_218 = arith.subi %sub3A_217, %reduce_sum3A_212 : i32
    %convert_element_type3A_219 = arith.sitofp %sub3A_218 : i32 to f32
    %mul3A_220 = arith.mulf %convert_element_type3A_219, %reduce_max3A_193 : f32
    %add3A_221 = arith.addf %reduce_sum3A_216, %mul3A_220 : f32
    %mul3A_222 = arith.constant 3.906250e-03 : f32
    %mul3A_223 = arith.mulf %add3A_221, %mul3A_222 : f32
    %eq3A_224 = arith.constant 1 : i32
    %eq3A_225 = vector.broadcast %eq3A_224 : i32 to vector<16xi32>
    %eq3A_226 = arith.cmpi eq, %iota3A, %eq3A_225 : vector<16xi32>
    %get3A_227 = arith.constant 0 : index
    %get3A_228 = tpu.vector_load %arg7[%get3A_227] {strides = array<i32>} : memref<16xf32, #tpu.memory_space<vmem>>, vector<16xf32>,
    %broadcast_in_dim3A_229 = vector.broadcast %mul3A_223 : f32 to vector<16xf32>
    %select_n3A_230 = arith.select %eq3A_226, %broadcast_in_dim3A_229, %get3A_228 : vector<16xi1>, vector<16xf32>
    %swap3A_231 = arith.constant 0 : index
    %swap3A_232 = tpu.vector_load %arg7[%swap3A_231] {strides = array<i32>} : memref<16xf32, #tpu.memory_space<vmem>>, vector<16xf32>,
    tpu.vector_store %arg7[%swap3A_231], %select_n3A_230 {strides = array<i32>} : memref<16xf32, #tpu.memory_space<vmem>>, vector<16xf32>,
    "tpu.region"() ({
      %run_scoped3A = tpu.sem_alloc : memref<!tpu.dma_semaphore, #tpu.memory_space<semaphore_mem>>
      %dma_start3A_233 = arith.constant 0 : i32
      %dma_start3A_234 = tpu.memref_slice %arg3[%add3A, %dma_start3A_233] : memref<32x16xf32, #tpu.memory_space<hbm>> -> memref<1x16xf32, #tpu.memory_space<hbm>>
      %dma_start3A_235 = tpu.memref_squeeze %dma_start3A_234 : memref<1x16xf32, #tpu.memory_space<hbm>> -> memref<16xf32, #tpu.memory_space<hbm>>
      %dma_start3A_236 = arith.constant 0 : i32
      %dma_start3A_237 = tpu.memref_slice %arg3[%add3A, %dma_start3A_236] : memref<32x16xf32, #tpu.memory_space<hbm>> -> memref<1x16xf32, #tpu.memory_space<hbm>>
      %dma_start3A_238 = tpu.memref_squeeze %dma_start3A_237 : memref<1x16xf32, #tpu.memory_space<hbm>> -> memref<16xf32, #tpu.memory_space<hbm>>
      tpu.enqueue_dma source(%arg7 : memref<16xf32, #tpu.memory_space<vmem>>) target(%dma_start3A_238 : memref<16xf32, #tpu.memory_space<hbm>>) target_semaphore(%run_scoped3A : memref<!tpu.dma_semaphore, #tpu.memory_space<semaphore_mem>>)
      %dma_wait3A = arith.constant 0 : i32
      %dma_wait3A_239 = tpu.memref_slice %arg3[%add3A, %dma_wait3A] : memref<32x16xf32, #tpu.memory_space<hbm>> -> memref<1x16xf32, #tpu.memory_space<hbm>>
      %dma_wait3A_240 = tpu.memref_squeeze %dma_wait3A_239 : memref<1x16xf32, #tpu.memory_space<hbm>> -> memref<16xf32, #tpu.memory_space<hbm>>
      %dma_wait3A_241 = arith.constant 0 : i32
      %dma_wait3A_242 = tpu.memref_slice %arg3[%add3A, %dma_wait3A_241] : memref<32x16xf32, #tpu.memory_space<hbm>> -> memref<1x16xf32, #tpu.memory_space<hbm>>
      %dma_wait3A_243 = tpu.memref_squeeze %dma_wait3A_242 : memref<1x16xf32, #tpu.memory_space<hbm>> -> memref<16xf32, #tpu.memory_space<hbm>>
      tpu.wait_dma2 semaphore(%run_scoped3A : memref<!tpu.dma_semaphore, #tpu.memory_space<semaphore_mem>>) src(%arg7 : memref<16xf32, #tpu.memory_space<vmem>>) dst(%dma_wait3A_243 : memref<16xf32, #tpu.memory_space<hbm>>)
      tpu.yield
    }) : () -> ()
    return
  }
}

</mosaic_0001>

<sc_bundles>
// kernel: kernel.3.cloned.1.call-start
scs
__scs_entry_jumppad:
0x0: {  	(pc) =	sbr.rel $0x88, $3  }
0x1: {  	(tag) =	ssettag $0x0;
	lr =	simm.s32 $0x1  }
0x2: {  	[smem:$0x3FA0] =	sst lr;
	_ =	strace $0xD0000000  }
0x3: {  	_ = 	snop  }
0x4: {  	_ = 	snop  }
0x5: {  	_ = 	snop  }
0x6: {  	_ = 	snop  }
0x7: {  	_ = 	snop  }
__scs_overlays_trampoline_lowered:
0x8: {  	[smem:$0x3FAF] =	sst s0  }
0x9: {  	[smem:$0x3FB0] =	sst s1  }
0xa: {  	[smem:$0x3FB1] =	sst s2  }
0xb: {  	[smem:$0x3FB2] =	sst s3  }
0xc: {  	[smem:$0x3FB3] =	sst s4  }
0xd: {  	[smem:$0x3FB4] =	sst s5  }
0xe: {  	[smem:$0x3FB5] =	sst s6  }
0xf: {  	[smem:$0x3FB6] =	sst s7  }
0x10: {  	[smem:$0x3FB7] =	sst s8  }
0x11: {  	[smem:$0x3FB8] =	sst s9;
	s0 =	simm.s32 @!p0 $0x0  }
0x12: {  	s1 =	sld [smem:$0x3F9E];
	s0 =	simm.s32 @p0 $0x1  }
0x13: {  	[smem:$0x3FB9] =	sst s0;
	s0 =	simm.s32 @!p1 $0x0  }
0x14: {  	s2 =	sld [smem:$0x3F9D];
	s0 =	simm.s32 @p1 $0x1  }
0x15: {  	[smem:$0x3FBA] =	sst s0;
	s0 =	simm.s32 @!p2 $0x0  }
0x16: {  	s3 =	sld [smem:$0x3FDB];
	s0 =	simm.s32 @p2 $0x1  }
0x17: {  	s4 =	simm.s32 $0x1BF5;
	[smem:$0x3FBC] =	sst s0  }
0x18: {  	s0 =	sld [smem:$0x3F9F];
	_ =	swait.ge [sflag:s4], $0x0  }
0x19: {  	s7 =	sld [smem:$0x3FA0]  }
0x1a: {  	s8 =	sadd.s32 $0xFFFFE003, lr  }
0x1b: {  	s9 =	sadd.s32 $0xFFFFFEF7, lr;
	s5 =	simm.s32 $0xFFFFFFFF;
	p2 =	slt.u32 s8, $0xFFFFF086  }
0x1c: {  	p1 =	slt.u32 s9, $0xF7A;
	s5 =	simm.s32 @!p2 $0x0  }
0x1d: {  	s5 =	simm.s32 @p1 $0x1;
	p0 =	seq.s32 s7, s2  }
0x1e: {  	s7 =	smul.u32 @!p0 $0xF7A, s2;
	p2 =	seq.s32 @!p0 s5, $0x0  }
0x1f: {  	s9 =	smul.u32 $0xF7A, s1;
	s8 =	simm.s32 @!p0 $0x1BF5;
	p2 =	por !p2, p0  }
0x20: {  	[sflag:s8] =	ssyncset.s32 @!p0 $0xFFFFF086;
	s6 =	sadd.s32 @!p0 s3, s7;
	s7 =	simm.s32 @!p0 $0x108  }
0x21: {  	s3 =	sadd.s32 s3, s9;
	s6 =	sadd.s32 @!p0 $0x88, s6;
	s7 =	simm.s32 @p2 $0x1082  }
0x22: {  	[simem:s7], [sflag:s8] =	dma.local @!p0 [hbm:s6], $0xF7A  }
0x23: {  	s9 =	sor.u32 $0xD0000000, s2;
	s6 =	simm.s32 $0x108;
	_ =	swait.ge @!p0 [sflag:s8], $0x0  }
0x24: {  	s3 =	sadd.s32 $0x88, s3;
	s6 =	simm.s32 @!p1 $0x1082;
	[sflag:s4] =	ssyncset.s32 $0xFFFFF086  }
0x25: {  	[simem:s6], [sflag:s4] =	dma.local [hbm:s3], $0xF7A  }
0x26: {  	[smem:$0x3FA0] =	sst s1;
	(tag) =	ssettag s2;
	_ =	strace s9  }
0x27: {  	s1 =	sld [smem:$0x3FB0]  }
0x28: {  	s2 =	sld [smem:$0x3FB1]  }
0x29: {  	s4 =	sld [smem:$0x3FB3]  }
0x2a: {  	p0 =	seq.s32 s5, $0x0;
	s5 =	sld [smem:$0x3FB4]  }
0x2b: {  	s6 =	sld [smem:$0x3FB5]  }
0x2c: {  	s7 =	sld [smem:$0x3FB6]  }
0x2d: {  	s3 =	simm.s32 $0x108;
	s8 =	sld [smem:$0x3FB7]  }
0x2e: {  	s3 =	simm.s32 @!p0 $0x1082;
	s9 =	sld [smem:$0x3FB8]  }
0x2f: {  	lr =	sadd.s32 s0, s3;
	s0 =	sld [smem:$0x3FAF]  }
0x30: {  	s3 =	sld [smem:$0x3FB2]  }
0x31: {  	[smem:$0x3FBB] =	sst s10  }
0x32: {  	s10 =	sld [smem:$0x3FB9];
	_ =	sdelay $0x3  }
0x33: {  	p0 =	seq.s32 s10, $0x1;
	s10 =	sld [smem:$0x3FBB];
	_ =	sdelay $0x3  }
0x34: {  	[smem:$0x3FBB] =	sst s10  }
0x35: {  	s10 =	sld [smem:$0x3FBA];
	_ =	sdelay $0x3  }
0x36: {  	p1 =	seq.s32 s10, $0x1;
	s10 =	sld [smem:$0x3FBB];
	_ =	sdelay $0x3  }
0x37: {  	[smem:$0x3FBB] =	sst s10  }
0x38: {  	s10 =	sld [smem:$0x3FBC]  }
0x39: {  	_ = 	snop;
	(pc) =	sbr.ind lr, $3  }
0x3a: {  	_ = 	snop  }
0x3b: {  	_ = 	snop  }
0x3c: {  	p2 =	seq.s32 s10, $0x1;
	s10 =	sld [smem:$0x3FBB]  }
0x3d: {  	_ =	shalt  }
0x3e: {  	_ =	shalt  }
0x3f: {  	_ =	shalt  }
0x40: {  	_ =	shalt  }
0x41: {  	_ =	shalt  }
0x42: {  	_ =	shalt  }
0x43: {  	_ =	shalt  }
0x44: {  	_ =	shalt  }
0x45: {  	_ =	shalt  }
0x46: {  	_ =	shalt  }
0x47: {  	_ =	shalt  }
0x48: {  	_ =	shalt  }
0x49: {  	_ =	shalt  }
0x4a: {  	_ =	shalt  }
0x4b: {  	_ =	shalt  }
0x4c: {  	_ =	shalt  }
0x4d: {  	_ =	shalt  }
0x4e: {  	_ =	shalt  }
0x4f: {  	_ =	shalt  }
0x50: {  	_ =	shalt  }
0x51: {  	_ =	shalt  }
0x52: {  	_ =	shalt  }
0x53: {  	_ =	shalt  }
0x54: {  	_ =	shalt  }
0x55: {  	_ =	shalt  }
0x56: {  	_ =	shalt  }
0x57: {  	_ =	shalt  }
0x58: {  	_ =	shalt  }
0x59: {  	_ =	shalt  }
0x5a: {  	_ =	shalt  }
0x5b: {  	_ =	shalt  }
0x5c: {  	_ =	shalt  }
0x5d: {  	_ =	shalt  }
0x5e: {  	_ =	shalt  }
0x5f: {  	_ =	shalt  }
0x60: {  	_ =	shalt  }
0x61: {  	_ =	shalt  }
0x62: {  	_ =	shalt  }
0x63: {  	_ =	shalt  }
0x64: {  	_ =	shalt  }
0x65: {  	_ =	shalt  }
0x66: {  	_ =	shalt  }
0x67: {  	_ =	shalt  }
0x68: {  	_ =	shalt  }
0x69: {  	_ =	shalt  }
0x6a: {  	_ =	shalt  }
0x6b: {  	_ =	shalt  }
0x6c: {  	_ =	shalt  }
0x6d: {  	_ =	shalt  }
0x6e: {  	_ =	shalt  }
0x6f: {  	_ =	shalt  }
0x70: {  	_ =	shalt  }
0x71: {  	_ =	shalt  }
0x72: {  	_ =	shalt  }
0x73: {  	_ =	shalt  }
0x74: {  	_ =	shalt  }
0x75: {  	_ =	shalt  }
0x76: {  	_ =	shalt  }
0x77: {  	_ =	shalt  }
0x78: {  	_ =	shalt  }
0x79: {  	_ =	shalt  }
0x7a: {  	_ =	shalt  }
0x7b: {  	_ =	shalt  }
0x7c: {  	_ =	shalt  }
0x7d: {  	_ =	shalt  }
0x7e: {  	_ =	shalt  }
0x7f: {  	_ =	shalt  }
0x80: {  	_ =	shalt  }
0x81: {  	_ =	shalt  }
0x82: {  	_ =	shalt  }
0x83: {  	_ =	shalt  }
0x84: {  	_ =	shalt  }
0x85: {  	_ =	shalt  }
0x86: {  	_ =	shalt  }
0x87: {  	_ =	shalt  }
.Lfunc_end0:
.L_simem_size_0:
called_computation_lowered:
.L_overlay_start_0:
0x88: {  	s2 =	sld [smem:$0x3FD9]  }
0x89: {  	s3 =	sld [smem:$0x3FFE];
	_ =	sdelay $0x1  }
0x8a: {  	s1 =	srdreg.scid  }
0x8b: {  	s0 =	sand.u32 $0x1, s1  }
0x8c: {  	s16 =	sshll.u32 s0, $0xA;
	s2 =	sadd.s32 s3, s2  }
0x8d: {  	s2 =	sadd.s32 s2, s16  }
0x8e: {  	[smem:$0x3FC7] =	sst s2  }
0x8f: {  	_ = 	snop  }
0x90: {  	(tm) =	ssettm $0x1  }
0x91: {  	s17 =	sld [smem:$0x3FFB];
	_ =	sdelay $0x3  }
0x92: {  	_ =	strace s17  }
0x93: {  	s2 =	sld [smem:$0x3FFC];
	_ =	sdelay $0x3  }
0x94: {  	_ =	strace s2  }
0x95: {  	s2 =	sld [smem:$0x3FFD];
	_ =	sdelay $0x3  }
0x96: {  	_ =	strace s2  }
0x97: {  	_ =	strace $0x8FFFFFFF  }
0x98: {  	s18 =	sld [smem:$0x3FDB];
	_ =	sdelay $0x1  }
0x99: {  	s19 =	simm.s32 $_scs_section_size  }
0x9a: {  	s4 =	simm.s32 $_size__tile_overlayer_lowered;
	s5 =	simm.s32 $_tile_overlayer_lowered  }
0x9b: {  	s22 =	simm.s32 $0x1BFF;
	s21 =	sshll.u32 s5, $0x1;
	s2 =	sadd.s32 s19, s18  }
0x9c: {  	s6 =	simm.s32 $0x0;
	s20 =	sshll.u32 s4, $0x1;
	s4 =	sadd.s32 s21, s2  }
0x9d: {  	[timem:s6], [sflag:s22] =	dma.local [hbm:s4], s20  }
0x9e: {  	_ =	swait.ge [sflag:s22], s20  }
0x9f: {  	s3 =	ssub.s32 $0x0, s20;
	[sflag:s22] =	ssyncset.done $0x0  }
0xa0: {  	[sflag:s22] =	ssyncadd.s32 s3;
	_ =	sdelay $0x1  }
0xa1: {  	s23 =	simm.s32 $0x1B8B  }
0xa2: {  	_ =	swait.ge [sflag:s23], $0x1  }
0xa3: {  	[sflag:s23] =	ssyncset.done $0x0  }
0xa4: {  	s25 =	simm.s32 $0x1B8E;
	s24 =	sld [smem:$0x3FFE];
	[sflag:s23] =	ssyncadd.s32 $0xFFFFFFFF  }
0xa5: {  	s26 =	simm.s32 $execute0_lowered;
	[smem:$0x3FD2] =	sst s25  }
0xa6: {  	s4 =	sshll.u32 s26, $0x1;
	_ =	strace $0x80000046;
	[dreg:$0x1] =	wrdreg $0xFFFFFFFF  }
0xa7: {  	s28 =	simm.s32 $_size_execute0_lowered;
	s2 =	sadd.s32 s2, s4;
	[dreg:$0x0] =	wrdreg $0x0  }
0xa8: {  	s4 =	sshll.u32 s28, $0x1;
	[dreg:$0x2] =	wrdreg s2  }
0xa9: {  	[dreg:$0x3] =	wrdreg s4  }
0xaa: {  	[dreg:$0x4] =	wrdreg $0xC0  }
0xab: {  	_ =	task [dreg:s6], $0x5FFFF  }
0xac: {  	[dreg:$0x1] =	wrdreg $0xFFFFFFFF  }
0xad: {  	[dreg:$0x0] =	wrdreg $0x60  }
0xae: {  	[dreg:$0x2] =	wrdreg s24  }
0xaf: {  	[dreg:$0x3] =	wrdreg $0x9  }
0xb0: {  	_ =	task.clear_ibuf [dreg:s6], $0x4FFFF;
	_ =	strace $0x90000046  }
0xb1: {  	s29 =	simm.s32 $0x9;
	_ =	strace $0x80000048  }
0xb2: {  	_ =	swait.ge [sflag:s29], $0x1  }
0xb3: {  	[sflag:s29] =	ssyncadd.s32 $0xFFFFFFFF  }
0xb4: {  	_ =	strace $0x90000048  }
0xb5: {  	_ =	sfence  }
0xb6: {  	s30 =	sld [smem:$0x0];
	_ =	sdelay $0x2  }
0xb7: {  	s31 =	sshll.u32 s1, $0xD;
	s1 =	sshrl.u32 s1, $0x2  }
0xb8: {  	s3 =	sand.u32 $0x4000, s31;
	s1 =	sadd.s32 s1, s30  }
0xb9: {  	s0 =	sor.u32 s3, s0;
	s1 =	sshll.u32 s1, $0x11  }
0xba: {  	s0 =	sor.u32 s1, s0  }
0xbb: {  	s0 =	sadd.s32 $0x8F2B, s0  }
0xbc: {  	[sflag:s0] =	ssyncadd.remote.s32 $0x1  }
0xbd: {  	_ =	sfence.sel $0xFFFF  }
0xbe: {  	[dreg:$0x0] =	wrdreg $0xFFFFFFFF;
	(pc) =	sbr.abs _section_cstart, $3  }
0xbf: {  	[dreg:$0x1] =	wrdreg $0xFFFFFFFF  }
0xc0: {  	_ =	task.clear_ibuf [dreg:s6], $0x2FFFF;
	_ =	strace $0x9FFFFFFF  }
0xc1: {  	(tm) =	ssettm $0x7FFFFFFF  }
tec
execute0_lowered:
.L_overlay_start_1:
0x0: {  	(tag) =	ssettag $0x1  }
0x1: {  	s5 =	rddreg [dreg:$0x0]  }
0x2: {  	s0 =	rddreg [dreg:$0x1]  }
0x3: {  	s2 =	simm.s32 $0x0;
	s3 =	srdreg.scid;
	s1 =	stileid.u32  }
0x4: {  	s11 =	simm.s32 $0x400;
	s12 =	simm.s32 $0x8000;
	s13 =	simm.s32 $0x80000000  }
0x5: {  	s14 =	simm.s32 $0xE000;
	s15 =	simm.s32 $0x3;
	s16 =	simm.s32 $0x0  }
0x6: {  	[smem:$0x7FF] =	sst s2;
	s6 =	sand.u32 $0x1, s3;
	s31 =	sshll.u32 s1, $0x1  }
0x7: {  	s3 =	sadd.s32 $0x400, s5;
	_ =	strace $0x80000047;
	s7 =	sor.u32 s6, s31  }
.Ltmp0:
0x8: {  	s6 =	ssub.s32 $0x2, s6;
	s8 =	sshll.u32 s7, $0x4;
	(pc) =	sbr.rel .LBB2_1-.Ltmp0, $4  }
0x9: {  	s4 =	sshll.u32 s7, $0x7;
	s9 =	sshrl.u32 s6, $0x1;
	s7 =	sshll.u32 s7, $0x12  }
0xa: {  	s8 =	sadd.s32 s8, s5;
	s5 =	sor.u32 $0x40, s4;
	s9 =	ssub.s32 s6, s9  }
0xb: {  	s6 =	sadd.s32 s3, s7;
	s10 =	sshll.u32 s5, $0xB;
	s8 =	sadd.s32 $0x800400, s8  }
0xc: {  	v0 =	vimm.s32 $0x0;
	vm0 =	vcmask $0x300;
	v1 =	vlaneseq.u32;
	s9 =	smax.u32 s9, $0x1;
	s7 =	sadd.s32 s3, s10;
	s10 =	simm.s32 $0x80  }
.LBB2_80:
0xd: {  	v4 =	vsel vm1, $0x1, v0;
	v5 =	vnsel vm1, $0x0, v5  }
0xe: {  	v2 =	vadd.s32 v4, v2;
	v3 =	vadd.f32 v5, v3  }
.LBB2_81:
0xf: {  	(xrf0) =	vadd.scan.msk.s32 $0xffff, v2  }
0x10: {  	(xrf2) =	vadd.scan.msk.f32 $0xffff, v3;
	_ =	sdelay $0x4  }
0x11: {  	v2, _, _ =	vpop (xrf0)  }
0x12: {  	(v2sf) =	vpush v2, $0xF;
	_ =	sdelay $0x3  }
0x13: {  	v2, _, _ =	vpop (xrf2)  }
0x14: {  	(v2sf) =	vpush v2, $0xF;
	_ =	sdelay $0x9  }
0x15: {  	s17 =	spop (v2sf)  }
0x16: {  	s17 =	ssub.s32 $0x100, s17  }
0x17: {  	s17 =	scvt.s32.f32 s17;
	_ =	sdelay $0x1  }
0x18: {  	s17 =	smul.f32 s17, s18  }
0x19: {  	v2 =	vld [tilespmem:$0xE000];
	s31 =	spop (v2sf)  }
0x1a: {  	s17 =	sadd.f32 s17, s31;
	_ =	sdelay $0x1  }
0x1b: {  	s17 =	smul.f32 $3.906250000e-03, s17  }
0x1c: {  	vm1 =	veq.s32 v1, $0x1;
	s16 =	sadd.s32 $0x1, s16  }
0x1d: {  	p0 =	sne.s32 s16, s9;
	v2 =	vsel vm1, s17, v2  }
.Ltmp1:
0x1e: {  	[tilespmem:$0xE000] =	vst v2;
	(pc) =	sbr.rel @!p0 .LBB2_82-.Ltmp1, $4  }
0x1f: {  	[hbm4b:s8+s2] =	stream.linear.scatter [tilespmem:s14], [sflag:$0x3], $0x80, $0x38;
	[tilespmem:$0xE080] =	vst v63  }
0x20: {  	_ =	swait.ge [sflag:s15], $0x80  }
0x21: {  	[sflag:s15] =	ssyncset.done $0x0  }
0x22: {  	[sflag:s15] =	ssyncadd.s32 $0xFFFFFF80  }
.LBB2_1:
.Ltmp2:
0x23: {  	(pc) =	sbr.rel .LBB2_3-.Ltmp2, $4  }
0x24: {  	_ = 	snop  }
0x25: {  	[tilespmem:s2], [sflag:$0x1] =	stream.strided.gather [hbm4b:s6+s10], $0x4000, s11, s10, $0x38;
	[tilespmem:$0xE080] =	vst v63  }
0x26: {  	[smem:$0x0] =	sst s2  }
0x27: {  	v2 =	vimm.f32 $-Inf;
	p0 =	por $0x0, $0x0;
	v3 =	vlaneseq.u32;
	s17 =	simm.s32 $0x0;
	[smem:$0x80] =	sst s2  }
.LBB2_2:
0x28: {  	p1 =	seq.s32 s17, $0x40  }
.Ltmp3:
0x29: {  	_ = 	snop;
	(pc) =	sbr.rel @p1 .LBB2_27-.Ltmp3, $2  }
0x2a: {  	_ =	sdelay $0x2  }
0x2b: {  	p0 =	por !p0, !p0  }
.LBB2_3:
0x2c: {  	p1 =	seq.s32 s17, $0x3F  }
0x2d: {  	s18 =	sor.u32 @!p1 s4, s17  }
0x2e: {  	s19 =	sand.u32 $0x1, s17;
	s18 =	sadd.s32 @!p1 $0x1, s18  }
0x2f: {  	s17 =	sadd.s32 $0x1, s17;
	s20 =	sshll.u32 @!p1 s18, $0xB;
	s18 =	sshll.u32 @!p1 s18, $0x4  }
0x30: {  	s23 =	simm.s32 @!p1 $0x400;
	s21 =	sand.u32 @!p1 $0x1, s17;
	s18 =	sand.u32 @!p1 $0x70, s18  }
0x31: {  	s22 =	sshll.u32 @!p1 s21, $0xE;
	s20 =	sand.u32 @!p1 $0xFFFC000, s20;
	s18 =	sadd.s32 @!p1 s3, s18  }
0x32: {  	s21 =	sadd.s32 @!p1 $0x1, s21;
	s18 =	sadd.s32 @!p1 s20, s18;
	s20 =	simm.s32 @!p1 $0x80  }
0x33: {  	[tilespmem:s22], [sflag:s21] =	stream.strided.gather @!p1 [hbm4b:s18+s20], $0x4000, s23, s20, $0x38;
	[tilespmem:$0xE080] =	vst v63  }
.Ltmp4:
0x34: {  	s18 =	simm.s32 $0x1;
	(pc) =	sbr.rel .LBB2_4-.Ltmp4, $4  }
0x35: {  	s19 =	sadd.s32 $0x1, s19;
	s18 =	simm.s32 @!p0 $0x0  }
0x36: {  	_ =	swait.ge [sflag:s19], $0x4000;
	s18 =	sshll.u32 s18, $0x10  }
0x37: {  	p2 =	por $0x1, $0x1;
	[sflag:s19] =	ssyncset.done $0x0;
	s18 =	sshrl.u32 s18, $0x2  }
0x38: {  	[sflag:s19] =	ssyncadd.s32 $0xFFFFC000;
	s19 =	simm.s32 $0x0;
	s18 =	sadd.s32 $0x80, s18  }
.LBB2_19:
0x39: {  	s20 =	simm.s32 $0x8000;
	v5 =	vlaneseq.u32  }
.LBB2_24:
0x3a: {  	_ =	sdelay $0x1  }
0x3b: {  	s20 =	sadd.s32 @p2 $0x10, s20  }
0x3c: {  	s21 =	smov.u32 @p2 s20;
	vm1 =	vgt.u32 v6, v2  }
0x3d: {  	v4 =	vld [tilespmem:s21+$0x0];
	_ =	sdelay $0x3  }
0x3e: {  	v6 =	vsel vm1, $0x10, v0  }
0x3f: {  	v3 =	vadd.s32 v3, v6;
	[tilespmem:v5+s12+$0x0] =	vst.idx.msk vm1, v4  }
.LBB2_25:
0x40: {  	v4 =	vshrl.u32 v3, $0x4  }
0x41: {  	(xrf0) =	vadd.scan.msk.s32 $0xffff, v4;
	_ =	sdelay $0x5  }
0x42: {  	v4, _, _ =	vpop (xrf0)  }
0x43: {  	(v2sf) =	vpush v4, $0xF;
	_ =	sdelay $0xe  }
0x44: {  	s20 =	spop (v2sf)  }
0x45: {  	s20 =	ssub.s32 $0x100, s20  }
0x46: {  	vm1 =	vlt.s32 v2, $0x0;
	v4 =	vand.u32 $0x7FFFFFFF, v2;
	v2 =	vxor.u32 $0xFFFFFFFF, v2;
	[smem:$0x0] =	sst s20  }
0x47: {  	v2 =	vsel vm1, v4, v2;
	[smem:$0x80] =	sst s19  }
.LBB2_26:
.Ltmp5:
0x48: {  	(pc) =	sbr.rel @!p1 .LBB2_2-.Ltmp5, $2  }
0x49: {  	_ =	sdelay $0x2  }
0x4a: {  	s19 =	simm.s32 $0x200;
	p2 =	por $0x0, $0x0  }
.LBB2_4:
0x4b: {  	s19 =	sshll.u32 s19, $0x4  }
0x4c: {  	s19 =	sand.u32 $0x3FFFFFF0, s19  }
0x4d: {  	s19 =	sadd.s32 s19, s18  }
0x4e: {  	v14 =	vld [tilespmem:s19+$0xFFFFFF80]  }
0x4f: {  	v8 =	vld [tilespmem:s19+$0xFFFFFF90]  }
0x50: {  	v4 =	vld [tilespmem:s19+$0xFFFFFFA0]  }
0x51: {  	v5 =	vld [tilespmem:s19+$0xFFFFFFB0]  }
0x52: {  	v6 =	vld [tilespmem:s19+$0xFFFFFFC0]  }
0x53: {  	v7 =	vld [tilespmem:s19+$0xFFFFFFD0];
	vm6 =	vgt.f32 v14, v2  }
0x54: {  	v9 =	vld [tilespmem:s19+$0xFFFFFFE0];
	vm1 =	vgt.f32 v8, v2;
	v10 =	vsel vm6, $0x10, v0  }
0x55: {  	vm2 =	vgt.f32 v4, v2;
	v11 =	vsel vm1, $0x10, v0;
	v15 =	vadd.s32 v3, v10;
	v10 =	vld [tilespmem:s19+$0xFFFFFFF0]  }
0x56: {  	vm3 =	vgt.f32 v5, v2;
	v12 =	vsel vm2, $0x10, v0;
	v16 =	vadd.s32 v15, v11;
	v11 =	vld [tilespmem:s19+$0x0]  }
0x57: {  	vm4 =	vgt.f32 v6, v2;
	v13 =	vsel vm3, $0x10, v0;
	v17 =	vadd.s32 v16, v12;
	v12 =	vld [tilespmem:s19+$0x10]  }
0x58: {  	vm5 =	vgt.f32 v7, v2;
	v19 =	vsel vm4, $0x10, v0;
	v18 =	vadd.s32 v17, v13;
	v13 =	vld [tilespmem:s19+$0x20]  }
0x59: {  	p1 =	por p2, p2;
	s20 =	simm.s32 $0x0;
	[tilespmem:v3+s12+$0x0] =	vst.idx.msk vm6, v14;
	v19 =	vadd.s32 v18, v19;
	v3 =	vsel vm5, $0x10, v0;
	vm6 =	vgt.f32 v9, v2;
	v14 =	vld [tilespmem:s19+$0x30]  }
.LBB2_5:
0x5a: {  	s20 =	sadd.s32 $0x10, s20;
	[tilespmem:v15+s12+$0x0] =	vst.idx.msk vm1, v8;
	v3 =	vadd.s32 v19, v3;
	v8 =	vsel vm6, $0x10, v0;
	vm1 =	vgt.f32 v10, v2;
	v20 =	vld [tilespmem:s19+$0x40]  }
0x5b: {  	p2 =	slt.u32 s20, $0x1F0;
	[tilespmem:v16+s12+$0x0] =	vst.idx.msk vm2, v4;
	v15 =	vadd.s32 v3, v8;
	v4 =	vsel vm1, $0x10, v0;
	vm7 =	vgt.f32 v11, v2;
	v21 =	vld [tilespmem:s19+$0x50]  }
0x5c: {  	[tilespmem:v17+s12+$0x0] =	vst.idx.msk vm3, v5;
	v16 =	vadd.s32 v15, v4;
	v4 =	vsel vm7, $0x10, v0;
	vm8 =	vgt.f32 v12, v2;
	v22 =	vld [tilespmem:s19+$0x60]  }
0x5d: {  	[tilespmem:v18+s12+$0x0] =	vst.idx.msk vm4, v6;
	v17 =	vadd.s32 v16, v4;
	v4 =	vsel vm8, $0x10, v0;
	vm2 =	vgt.f32 v13, v2;
	v23 =	vld [tilespmem:s19+$0x70];
	s19 =	sadd.s32 $0x100, s19  }
0x5e: {  	v24 =	vld [tilespmem:s19+$0xFFFFFF80];
	[tilespmem:v19+s12+$0x0] =	vst.idx.msk vm5, v7;
	v18 =	vadd.s32 v17, v4;
	v4 =	vsel vm2, $0x10, v0;
	vm9 =	vgt.f32 v14, v2  }
0x5f: {  	v8 =	vld [tilespmem:s19+$0xFFFFFF90];
	[tilespmem:v3+s12+$0x0] =	vst.idx.msk vm6, v9;
	v3 =	vadd.s32 v18, v4;
	v5 =	vsel vm9, $0x10, v0;
	vm3 =	vgt.f32 v20, v2  }
0x60: {  	v4 =	vld [tilespmem:s19+$0xFFFFFFA0];
	[tilespmem:v15+s12+$0x0] =	vst.idx.msk vm1, v10;
	v19 =	vadd.s32 v3, v5;
	v6 =	vsel vm3, $0x10, v0;
	vm4 =	vgt.f32 v21, v2  }
0x61: {  	v5 =	vld [tilespmem:s19+$0xFFFFFFB0];
	[tilespmem:v16+s12+$0x0] =	vst.idx.msk vm7, v11;
	v25 =	vadd.s32 v19, v6;
	v7 =	vsel vm4, $0x10, v0;
	vm5 =	vgt.f32 v22, v2  }
0x62: {  	v6 =	vld [tilespmem:s19+$0xFFFFFFC0];
	[tilespmem:v17+s12+$0x0] =	vst.idx.msk vm8, v12;
	v26 =	vadd.s32 v25, v7;
	v9 =	vsel vm5, $0x10, v0;
	vm7 =	vgt.f32 v23, v2  }
0x63: {  	vm6 =	vgt.f32 v24, v2;
	v7 =	vld [tilespmem:s19+$0xFFFFFFD0];
	[tilespmem:v18+s12+$0x0] =	vst.idx.msk vm2, v13;
	v27 =	vadd.s32 v26, v9;
	v10 =	vsel vm7, $0x10, v0  }
0x64: {  	v11 =	vsel vm6, $0x10, v0;
	vm1 =	vgt.f32 v8, v2;
	v9 =	vld [tilespmem:s19+$0xFFFFFFE0];
	[tilespmem:v3+s12+$0x0] =	vst.idx.msk vm9, v14;
	v3 =	vadd.s32 v27, v10  }
.Ltmp6:
0x65: {  	v15 =	vadd.s32 v3, v11;
	v11 =	vsel vm1, $0x10, v0;
	vm2 =	vgt.f32 v4, v2;
	v10 =	vld [tilespmem:s19+$0xFFFFFFF0];
	[tilespmem:v19+s12+$0x0] =	vst.idx.msk vm3, v20;
	(pc) =	sbr.rel @p2 .LBB2_5-.Ltmp6, $4  }
0x66: {  	v16 =	vadd.s32 v15, v11;
	v12 =	vsel vm2, $0x10, v0;
	vm3 =	vgt.f32 v5, v2;
	v11 =	vld [tilespmem:s19+$0x0];
	[tilespmem:v25+s12+$0x0] =	vst.idx.msk vm4, v21  }
0x67: {  	v17 =	vadd.s32 v16, v12;
	v13 =	vsel vm3, $0x10, v0;
	vm4 =	vgt.f32 v6, v2;
	v12 =	vld [tilespmem:s19+$0x10];
	[tilespmem:v26+s12+$0x0] =	vst.idx.msk vm5, v22  }
0x68: {  	v18 =	vadd.s32 v17, v13;
	v14 =	vsel vm4, $0x10, v0;
	vm5 =	vgt.f32 v7, v2;
	v13 =	vld [tilespmem:s19+$0x20];
	[tilespmem:v27+s12+$0x0] =	vst.idx.msk vm7, v23  }
0x69: {  	[tilespmem:v3+s12+$0x0] =	vst.idx.msk vm6, v24;
	v19 =	vadd.s32 v18, v14;
	v3 =	vsel vm5, $0x10, v0;
	vm6 =	vgt.f32 v9, v2;
	v14 =	vld [tilespmem:s19+$0x30]  }
0x6a: {  	v20 =	vadd.s32 v19, v3;
	v3 =	vsel vm6, $0x10, v0;
	vm7 =	vgt.f32 v10, v2;
	v21 =	vld [tilespmem:s19+$0x40]  }
0x6b: {  	v23 =	vld [tilespmem:s19+$0x50];
	v22 =	vadd.s32 v20, v3;
	v3 =	vsel vm7, $0x10, v0;
	vm8 =	vgt.f32 v11, v2  }
0x6c: {  	v25 =	vld [tilespmem:s19+$0x60];
	v24 =	vadd.s32 v22, v3;
	v3 =	vsel vm8, $0x10, v0;
	vm9 =	vgt.f32 v12, v2  }
0x6d: {  	v27 =	vld [tilespmem:s19+$0x70];
	v26 =	vadd.s32 v24, v3;
	v3 =	vsel vm9, $0x10, v0;
	vm10 =	vgt.f32 v13, v2  }
0x6e: {  	v28 =	vadd.s32 v26, v3;
	v3 =	vsel vm10, $0x10, v0;
	vm11 =	vgt.f32 v14, v2  }
0x6f: {  	v29 =	vadd.s32 v28, v3;
	v3 =	vsel vm11, $0x10, v0;
	vm12 =	vgt.f32 v21, v2  }
0x70: {  	vm13 =	vgt.f32 v23, v2;
	v30 =	vadd.s32 v29, v3;
	v3 =	vsel vm12, $0x10, v0  }
0x71: {  	vm14 =	vgt.f32 v25, v2;
	v31 =	vadd.s32 v30, v3;
	v3 =	vsel vm13, $0x10, v0  }
0x72: {  	vm15 =	vgt.f32 v27, v2;
	v32 =	vadd.s32 v31, v3;
	v3 =	vsel vm14, $0x10, v0  }
0x73: {  	v33 =	vadd.s32 v32, v3;
	v3 =	vsel vm15, $0x10, v0  }
0x74: {  	v3 =	vadd.s32 v33, v3  }
0x75: {  	v34 =	vxor.u32 $0x80000000, v3  }
0x76: {  	(xrf0) =	vmax.scan.msk.u32 $0xffff, v34;
	_ =	sdelay $0x5  }
0x77: {  	v34, _, _ =	vpop (xrf0)  }
0x78: {  	(v2sf) =	vpush v34, $0xF;
	_ =	sdelay $0x6  }
0x79: {  	[tilespmem:v15+s12+$0x0] =	vst.idx.msk vm1, v8  }
0x7a: {  	[tilespmem:v16+s12+$0x0] =	vst.idx.msk vm2, v4  }
0x7b: {  	[tilespmem:v17+s12+$0x0] =	vst.idx.msk vm3, v5  }
0x7c: {  	[tilespmem:v18+s12+$0x0] =	vst.idx.msk vm4, v6  }
0x7d: {  	[tilespmem:v19+s12+$0x0] =	vst.idx.msk vm5, v7  }
0x7e: {  	[tilespmem:v20+s12+$0x0] =	vst.idx.msk vm6, v9  }
0x7f: {  	[tilespmem:v22+s12+$0x0] =	vst.idx.msk vm7, v10  }
0x80: {  	[tilespmem:v24+s12+$0x0] =	vst.idx.msk vm8, v11  }
0x81: {  	[tilespmem:v26+s12+$0x0] =	vst.idx.msk vm9, v12;
	s31 =	spop (v2sf)  }
0x82: {  	[tilespmem:v28+s12+$0x0] =	vst.idx.msk vm10, v13;
	p2 =	slt.u32 s31, $0x80001001  }
.Ltmp7:
0x83: {  	[tilespmem:v29+s12+$0x0] =	vst.idx.msk vm11, v14;
	(pc) =	sbr.rel @p2 .LBB2_26-.Ltmp7, $4  }
0x84: {  	[tilespmem:v30+s12+$0x0] =	vst.idx.msk vm12, v21  }
0x85: {  	[tilespmem:v31+s12+$0x0] =	vst.idx.msk vm13, v23  }
0x86: {  	[tilespmem:v32+s12+$0x0] =	vst.idx.msk vm14, v25  }
0x87: {  	[tilespmem:v33+s12+$0x0] =	vst.idx.msk vm15, v27  }
0x88: {  	v2 =	vshrl.u32 v3, $0x4  }
0x89: {  	v3 =	vor.u32 $0x80000000, v2  }
0x8a: {  	(xrf0) =	vmax.scan.msk.u32 $0xffff, v3;
	_ =	sdelay $0x5  }
0x8b: {  	v3, _, _ =	vpop (xrf0)  }
0x8c: {  	(v2sf) =	vpush v3, $0xF;
	_ =	sdelay $0xe  }
0x8d: {  	s19 =	spop (v2sf)  }
0x8e: {  	s20 =	sxor.u32 $0x80000000, s19  }
0x8f: {  	p2 =	slt.s32 s20, $0x1  }
.Ltmp8:
0x90: {  	_ = 	snop;
	(pc) =	sbr.rel @p2 .LBB2_10-.Ltmp8, $1  }
0x91: {  	_ =	sdelay $0x3  }
0x92: {  	s19 =	simm.s32 $0x8000  }
0x93: {  	v3 =	vld [tilespmem:s19+$0x0];
	_ =	sdelay $0x2  }
0x94: {  	s31 =	simm.s32 $0x0;
	p3 =	sne.s32 s20, $0x1  }
.Ltmp9:
0x95: {  	v4 =	vmov s31;
	(pc) =	sbr.rel @!p3 .LBB2_10-.Ltmp9, $4  }
0x96: {  	vm1 =	vlt.s32 v3, $0x0;
	v5 =	vxor.u32 $0xFFFFFFFF, v3;
	v3 =	vor.u32 $0x80000000, v3  }
0x97: {  	vm2 =	vlt.u32 v4, v2;
	v3 =	vsel vm1, v5, v3  }
0x98: {  	s19 =	simm.s32 $0xB000;
	v3 =	vnsel vm2, $0x0, v3  }
0x99: {  	s21 =	simm.s32 $0x1;
	s22 =	simm.s32 $0x8010;
	[tilespmem:s19+$0x0] =	vst v3  }
.LBB2_9:
0x9a: {  	v3 =	vld [tilespmem:s22+$0x0];
	s23 =	smov.u32 s21;
	s21 =	sadd.s32 $0x1, s21  }
0x9b: {  	p3 =	sne.s32 s20, s21;
	_ =	sdelay $0x2  }
.Ltmp10:
0x9c: {  	v4 =	vmov s23;
	(pc) =	sbr.rel @p3 .LBB2_9-.Ltmp10, $4  }
0x9d: {  	vm1 =	vlt.s32 v3, $0x0;
	v5 =	vxor.u32 $0xFFFFFFFF, v3;
	v3 =	vor.u32 $0x80000000, v3  }
0x9e: {  	vm2 =	vlt.u32 v4, v2;
	v3 =	vsel vm1, v5, v3  }
0x9f: {  	s19 =	sadd.s32 $0x10, s19;
	v3 =	vnsel vm2, $0x0, v3  }
0xa0: {  	s22 =	sadd.s32 $0x10, s22;
	[tilespmem:s19+$0x0] =	vst v3  }
.LBB2_10:
.Ltmp11:
0xa1: {  	(pc) =	sbr.rel .LBB2_11-.Ltmp11, $3  }
0xa2: {  	_ =	sdelay $0x1  }
0xa3: {  	s21 =	sld [smem:$0x0]  }
0xa4: {  	s19 =	simm.s32 $0x0;
	s22 =	sld [smem:$0x80];
	s23 =	simm.s32 $0x0  }
.LBB2_12:
0xa5: {  	v2 =	vimm.s32 $0x0  }
.LBB2_16:
0xa6: {  	(xrf0) =	vadd.scan.msk.s32 $0xffff, v2;
	_ =	sdelay $0x5  }
0xa7: {  	v2, _, _ =	vpop (xrf0)  }
0xa8: {  	(v2sf) =	vpush v2, $0xF;
	_ =	sdelay $0xb  }
0xa9: {  	s23 =	sadd.s32 $0x1, s23  }
0xaa: {  	p4 =	sne.s32 s23, $0x20  }
.Ltmp12:
0xab: {  	s25 =	smov.u32 s21;
	p3 =	slt.u32 s22, s24;
	(pc) =	sbr.rel @!p4 .LBB2_17-.Ltmp12, $4  }
0xac: {  	s25 =	simm.s32 @p3 $0x0;
	s26 =	spop (v2sf)  }
0xad: {  	s25 =	sadd.s32 s25, s26  }
0xae: {  	p3 =	sgt.s32 s25, $0xFF  }
0xaf: {  	s19 =	smov.u32 @p3 s24  }
.LBB2_11:
.Ltmp13:
0xb0: {  	(pc) =	sbr.rel @p2 .LBB2_12-.Ltmp13, $3  }
0xb1: {  	_ =	sdelay $0x1  }
0xb2: {  	s24 =	sshrl.u32 s13, s23  }
0xb3: {  	s24 =	sor.u32 s24, s19  }
0xb4: {  	s25 =	simm.s32 $0xB000  }
0xb5: {  	p3 =	sne.s32 s20, $0x1;
	v4 =	vld [tilespmem:s25+$0x0]  }
.Ltmp14:
0xb6: {  	_ = 	snop;
	(pc) =	sbr.rel @!p3 .LBB2_15-.Ltmp14, $3  }
0xb7: {  	_ =	sdelay $0x1  }
0xb8: {  	v3 =	vmov s24  }
0xb9: {  	v2 =	vimm.s32 $0x0;
	s26 =	simm.s32 $0xB010;
	s25 =	sadd.s32 $0xFFFFFFFF, s20;
	vm1 =	vge.u32 v4, v3  }
.LBB2_14:
0xba: {  	v4 =	vld [tilespmem:s26+$0x0];
	p3 =	sne.s32 s25, $0x1;
	s25 =	sadd.s32 $0xFFFFFFFF, s25;
	v5 =	vsel vm1, $0x1, v0  }
.Ltmp15:
0xbb: {  	v2 =	vadd.s32 v5, v2;
	(pc) =	sbr.rel @p3 .LBB2_14-.Ltmp15, $2  }
0xbc: {  	_ =	sdelay $0x2  }
0xbd: {  	s26 =	sadd.s32 $0x10, s26;
	vm1 =	vge.u32 v4, v3  }
.LBB2_15:
.Ltmp16:
0xbe: {  	(pc) =	sbr.rel .LBB2_16-.Ltmp16, $3  }
0xbf: {  	_ =	sdelay $0x1  }
0xc0: {  	v3 =	vsel vm1, $0x1, v0  }
0xc1: {  	v2 =	vadd.s32 v3, v2  }
.LBB2_17:
.Ltmp17:
0xc2: {  	(pc) =	sbr.rel @p2 .LBB2_25-.Ltmp17, $2  }
0xc3: {  	_ =	sdelay $0x2  }
0xc4: {  	v2 =	vmov s19;
	v3 =	vlaneseq.u32  }
0xc5: {  	p3 =	sne.s32 s20, $0x1  }
.Ltmp18:
0xc6: {  	_ = 	snop;
	(pc) =	sbr.rel @!p3 .LBB2_19-.Ltmp18, $4  }
0xc7: {  	_ = 	snop  }
0xc8: {  	s22 =	simm.s32 $0xB000  }
0xc9: {  	v6 =	vld [tilespmem:s22+$0x0]  }
0xca: {  	s21 =	simm.s32 $0x8000;
	s20 =	sadd.s32 $0xFFFFFFFF, s20;
	p2 =	por $0x0, $0x0  }
0xcb: {  	_ =	sdelay $0x2  }
0xcc: {  	vm1 =	vgt.u32 v6, v2  }
0xcd: {  	v5 =	vld [tilespmem:s21+$0x0];
	_ =	sdelay $0x1  }
0xce: {  	p3 =	sne.s32 s20, $0x1  }
.Ltmp19:
0xcf: {  	_ = 	snop;
	(pc) =	sbr.rel @!p3 .LBB2_21-.Ltmp19, $4  }
0xd0: {  	_ = 	snop  }
0xd1: {  	s22 =	simm.s32 $0xB010;
	v4 =	vsel vm1, $0x10, v0;
	[tilespmem:v3+s12+$0x0] =	vst.idx.msk vm1, v5  }
0xd2: {  	v4 =	vadd.s32 v3, v4;
	v6 =	vld [tilespmem:s22+$0x0]  }
0xd3: {  	s23 =	sadd.s32 $0xFFFFFFFF, s20;
	p2 =	por $0x1, $0x1;
	s20 =	simm.s32 $0x8000;
	v5 =	vmov v4  }
.LBB2_22:
0xd4: {  	p3 =	sne.s32 s23, $0x1;
	_ =	sdelay $0x3  }
0xd5: {  	s20 =	sadd.s32 $0x10, s20;
	vm1 =	vgt.u32 v6, v2  }
0xd6: {  	v3 =	vld [tilespmem:s20+$0x0];
	v6 =	vsel vm1, $0x10, v0  }
0xd7: {  	v4 =	vadd.s32 v4, v6  }
.Ltmp20:
0xd8: {  	(pc) =	sbr.rel @p3 .LBB2_22-.Ltmp20, $3  }
0xd9: {  	_ =	sdelay $0x1  }
0xda: {  	s22 =	sadd.s32 $0x10, s22;
	[tilespmem:v5+s12+$0x0] =	vst.idx.msk vm1, v3;
	v5 =	vmov v4  }
0xdb: {  	s23 =	sadd.s32 $0xFFFFFFFF, s23;
	v6 =	vld [tilespmem:s22+$0x0]  }
.Ltmp21:
0xdc: {  	(pc) =	sbr.rel .LBB2_24-.Ltmp21, $2  }
0xdd: {  	_ =	sdelay $0x2  }
0xde: {  	v3 =	vmov v4  }
.LBB2_21:
.Ltmp22:
0xdf: {  	(pc) =	sbr.rel .LBB2_24-.Ltmp22, $2  }
0xe0: {  	_ =	sdelay $0x2  }
0xe1: {  	s20 =	simm.s32 $0x8000;
	v3 =	vmov v4;
	v5 =	vmov v4  }
.LBB2_27:
0xe2: {  	v2 =	vshrl.u32 v3, $0x4  }
0xe3: {  	v3 =	vor.u32 $0x80000000, v2  }
0xe4: {  	(xrf0) =	vmax.scan.msk.u32 $0xffff, v3;
	_ =	sdelay $0x5  }
0xe5: {  	v3, _, _ =	vpop (xrf0)  }
0xe6: {  	(v2sf) =	vpush v3, $0xF;
	_ =	sdelay $0xe  }
0xe7: {  	s17 =	spop (v2sf)  }
0xe8: {  	s17 =	sxor.u32 $0x80000000, s17  }
0xe9: {  	p0 =	slt.s32 s17, $0x1  }
.Ltmp23:
0xea: {  	_ = 	snop;
	(pc) =	sbr.rel @p0 .LBB2_30-.Ltmp23, $1  }
0xeb: {  	_ =	sdelay $0x3  }
0xec: {  	s18 =	simm.s32 $0x8000  }
0xed: {  	v3 =	vld [tilespmem:s18+$0x0];
	_ =	sdelay $0x2  }
0xee: {  	s31 =	simm.s32 $0x0;
	p1 =	sne.s32 s17, $0x1  }
.Ltmp24:
0xef: {  	v4 =	vmov s31;
	(pc) =	sbr.rel @!p1 .LBB2_30-.Ltmp24, $4  }
0xf0: {  	vm1 =	vlt.s32 v3, $0x0;
	v5 =	vxor.u32 $0xFFFFFFFF, v3;
	v3 =	vor.u32 $0x80000000, v3  }
0xf1: {  	vm2 =	vlt.u32 v4, v2;
	v3 =	vsel vm1, v5, v3  }
0xf2: {  	s18 =	simm.s32 $0xB000;
	v3 =	vnsel vm2, $0x0, v3  }
0xf3: {  	s19 =	simm.s32 $0x1;
	s20 =	simm.s32 $0x8010;
	[tilespmem:s18+$0x0] =	vst v3  }
.LBB2_29:
0xf4: {  	v3 =	vld [tilespmem:s20+$0x0];
	s21 =	smov.u32 s19;
	s19 =	sadd.s32 $0x1, s19  }
0xf5: {  	p1 =	sne.s32 s17, s19;
	_ =	sdelay $0x2  }
.Ltmp25:
0xf6: {  	v4 =	vmov s21;
	(pc) =	sbr.rel @p1 .LBB2_29-.Ltmp25, $4  }
0xf7: {  	vm1 =	vlt.s32 v3, $0x0;
	v5 =	vxor.u32 $0xFFFFFFFF, v3;
	v3 =	vor.u32 $0x80000000, v3  }
0xf8: {  	vm2 =	vlt.u32 v4, v2;
	v3 =	vsel vm1, v5, v3  }
0xf9: {  	s18 =	sadd.s32 $0x10, s18;
	v3 =	vnsel vm2, $0x0, v3  }
0xfa: {  	s20 =	sadd.s32 $0x10, s20;
	[tilespmem:s18+$0x0] =	vst v3  }
.LBB2_30:
.Ltmp26:
0xfb: {  	(pc) =	sbr.rel .LBB2_31-.Ltmp26, $3  }
0xfc: {  	_ =	sdelay $0x1  }
0xfd: {  	s19 =	sld [smem:$0x0]  }
0xfe: {  	s18 =	simm.s32 $0x0;
	s20 =	sld [smem:$0x80];
	s21 =	simm.s32 $0x0  }
.LBB2_32:
0xff: {  	v2 =	vimm.s32 $0x0  }
.LBB2_36:
0x100: {  	(xrf0) =	vadd.scan.msk.s32 $0xffff, v2;
	_ =	sdelay $0x5  }
0x101: {  	v2, _, _ =	vpop (xrf0)  }
0x102: {  	(v2sf) =	vpush v2, $0xF;
	_ =	sdelay $0xb  }
0x103: {  	s21 =	sadd.s32 $0x1, s21  }
0x104: {  	p2 =	sne.s32 s21, $0x20  }
.Ltmp27:
0x105: {  	s23 =	smov.u32 s19;
	p1 =	slt.u32 s20, s22;
	(pc) =	sbr.rel @!p2 .LBB2_37-.Ltmp27, $4  }
0x106: {  	s23 =	simm.s32 @p1 $0x0;
	s24 =	spop (v2sf)  }
0x107: {  	s23 =	sadd.s32 s23, s24  }
0x108: {  	p1 =	sgt.s32 s23, $0xFF  }
0x109: {  	s18 =	smov.u32 @p1 s22  }
.LBB2_31:
.Ltmp28:
0x10a: {  	(pc) =	sbr.rel @p0 .LBB2_32-.Ltmp28, $3  }
0x10b: {  	_ =	sdelay $0x1  }
0x10c: {  	s22 =	sshrl.u32 s13, s21  }
0x10d: {  	s22 =	sor.u32 s22, s18  }
0x10e: {  	s23 =	simm.s32 $0xB000  }
0x10f: {  	p1 =	sne.s32 s17, $0x1;
	v4 =	vld [tilespmem:s23+$0x0]  }
.Ltmp29:
0x110: {  	_ = 	snop;
	(pc) =	sbr.rel @!p1 .LBB2_35-.Ltmp29, $3  }
0x111: {  	_ =	sdelay $0x1  }
0x112: {  	v3 =	vmov s22  }
0x113: {  	v2 =	vimm.s32 $0x0;
	s24 =	simm.s32 $0xB010;
	s23 =	sadd.s32 $0xFFFFFFFF, s17;
	vm1 =	vge.u32 v4, v3  }
.LBB2_34:
0x114: {  	v4 =	vld [tilespmem:s24+$0x0];
	p1 =	sne.s32 s23, $0x1;
	s23 =	sadd.s32 $0xFFFFFFFF, s23;
	v5 =	vsel vm1, $0x1, v0  }
.Ltmp30:
0x115: {  	v2 =	vadd.s32 v5, v2;
	(pc) =	sbr.rel @p1 .LBB2_34-.Ltmp30, $2  }
0x116: {  	_ =	sdelay $0x2  }
0x117: {  	s24 =	sadd.s32 $0x10, s24;
	vm1 =	vge.u32 v4, v3  }
.LBB2_35:
.Ltmp31:
0x118: {  	(pc) =	sbr.rel .LBB2_36-.Ltmp31, $3  }
0x119: {  	_ =	sdelay $0x1  }
0x11a: {  	v3 =	vsel vm1, $0x1, v0  }
0x11b: {  	v2 =	vadd.s32 v3, v2  }
.LBB2_37:
0x11c: {  	v4 =	vmov s18  }
0x11d: {  	vm1 =	vlt.s32 v4, $0x0;
	v2 =	vand.u32 $0x7FFFFFFF, v4;
	v3 =	vxor.u32 $0xFFFFFFFF, v4  }
0x11e: {  	v2 =	vsel vm1, v2, v3  }
0x11f: {  	(xrf0) =	vmax.scan.msk.f32 $0xffff, v2;
	_ =	sdelay $0x5  }
0x120: {  	v2, _, _ =	vpop (xrf0)  }
0x121: {  	(v2sf) =	vpush v2, $0xF;
	_ =	sdelay $0xa  }
.Ltmp32:
0x122: {  	_ = 	snop;
	(pc) =	sbr.rel @p0 .LBB2_41-.Ltmp32, $2  }
0x123: {  	_ =	sdelay $0x2  }
0x124: {  	v3 =	vimm.f32 $0.0e+00;
	v2 =	vimm.s32 $0x0;
	s18 =	spop (v2sf)  }
0x125: {  	s19 =	simm.s32 $0xB000  }
0x126: {  	p0 =	sne.s32 s17, $0x1;
	v6 =	vld [tilespmem:s19+$0x0];
	s19 =	simm.s32 $0x8000  }
.Ltmp33:
0x127: {  	v5 =	vld [tilespmem:s19+$0x0];
	(pc) =	sbr.rel @!p0 .LBB2_40-.Ltmp33, $2  }
0x128: {  	_ =	sdelay $0x2  }
0x129: {  	s17 =	sadd.s32 $0xFFFFFFFF, s17;
	s20 =	simm.s32 $0xB010;
	vm1 =	vgt.u32 v6, v4  }
.LBB2_39:
0x12a: {  	v6 =	vld [tilespmem:s20+$0x0];
	p0 =	sne.s32 s17, $0x1;
	s17 =	sadd.s32 $0xFFFFFFFF, s17;
	v7 =	vsel vm1, $0x1, v0;
	v8 =	vnsel vm1, $0x0, v5;
	s19 =	sadd.s32 $0x10, s19  }
.Ltmp34:
0x12b: {  	v5 =	vld [tilespmem:s19+$0x0];
	v2 =	vadd.s32 v7, v2;
	v3 =	vadd.f32 v8, v3;
	(pc) =	sbr.rel @p0 .LBB2_39-.Ltmp34, $2  }
0x12c: {  	_ =	sdelay $0x2  }
0x12d: {  	s20 =	sadd.s32 $0x10, s20;
	vm1 =	vgt.u32 v6, v4  }
.LBB2_40:
0x12e: {  	v4 =	vsel vm1, $0x1, v0;
	v5 =	vnsel vm1, $0x0, v5  }
0x12f: {  	v2 =	vadd.s32 v4, v2;
	v3 =	vadd.f32 v5, v3  }
.LBB2_41:
0x130: {  	(xrf0) =	vadd.scan.msk.s32 $0xffff, v2  }
0x131: {  	(xrf2) =	vadd.scan.msk.f32 $0xffff, v3;
	_ =	sdelay $0x4  }
0x132: {  	v2, _, _ =	vpop (xrf0)  }
0x133: {  	(v2sf) =	vpush v2, $0xF;
	_ =	sdelay $0x3  }
0x134: {  	v2, _, _ =	vpop (xrf2)  }
0x135: {  	(v2sf) =	vpush v2, $0xF;
	_ =	sdelay $0x9  }
0x136: {  	s17 =	spop (v2sf)  }
0x137: {  	s17 =	ssub.s32 $0x100, s17  }
0x138: {  	s17 =	scvt.s32.f32 s17;
	_ =	sdelay $0x1  }
0x139: {  	s17 =	smul.f32 s17, s18  }
0x13a: {  	s31 =	spop (v2sf)  }
0x13b: {  	s17 =	sadd.f32 s17, s31;
	_ =	sdelay $0x1  }
0x13c: {  	s17 =	smul.f32 $3.906250000e-03, s17  }
.Ltmp35:
0x13d: {  	_ = 	snop;
	(pc) =	sbr.rel .LBB2_43-.Ltmp35, $4  }
0x13e: {  	v2 =	vmov s17;
	s17 =	simm.s32 $0x0  }
0x13f: {  	v2 =	vnsel vm0, $0x0, v2;
	[smem:$0x0] =	sst s17  }
0x140: {  	p0 =	por $0x0, $0x0;
	[tilespmem:$0xE000] =	vst v2;
	[smem:$0x80] =	sst s17  }
0x141: {  	v3 =	vlaneseq.u32;
	v2 =	vimm.f32 $-Inf;
	[tilespmem:s17], [sflag:$0x1] =	stream.strided.gather [hbm4b:s7+s10], $0x4000, s11, s10, $0x38;
	[tilespmem:$0xE080] =	vst v63  }
.LBB2_42:
0x142: {  	p1 =	seq.s32 s17, $0x40  }
.Ltmp36:
0x143: {  	_ = 	snop;
	(pc) =	sbr.rel @p1 .LBB2_67-.Ltmp36, $2  }
0x144: {  	_ =	sdelay $0x2  }
0x145: {  	p0 =	por !p0, !p0  }
.LBB2_43:
0x146: {  	p1 =	seq.s32 s17, $0x3F  }
0x147: {  	s18 =	smov.u32 s17;
	s17 =	sor.u32 @!p1 s5, s17  }
0x148: {  	s17 =	sadd.s32 @!p1 $0x1, s17  }
0x149: {  	s19 =	sshll.u32 @!p1 s17, $0xE;
	s20 =	sshll.u32 @!p1 s17, $0x7  }
0x14a: {  	s19 =	sand.u32 @!p1 $0xFFFE0000, s19;
	s20 =	sand.u32 @!p1 $0x380, s20  }
0x14b: {  	s22 =	simm.s32 @!p1 $0x80;
	s17 =	sadd.s32 $0x1, s18;
	s19 =	sor.u32 @!p1 s20, s19  }
0x14c: {  	s23 =	simm.s32 @!p1 $0x400;
	s20 =	sand.u32 @!p1 $0x1, s17;
	s19 =	sshrl.u32 @!p1 s19, $0x3  }
0x14d: {  	s21 =	sshll.u32 @!p1 s20, $0xE;
	s20 =	sadd.s32 @!p1 $0x1, s20;
	s19 =	sadd.s32 @!p1 s3, s19  }
0x14e: {  	[tilespmem:s21], [sflag:s20] =	stream.strided.gather @!p1 [hbm4b:s19+s22], $0x4000, s23, s22, $0x38;
	[tilespmem:$0xE080] =	vst v63  }
.Ltmp37:
0x14f: {  	s18 =	sand.u32 $0x1, s18;
	s19 =	simm.s32 $0x1;
	(pc) =	sbr.rel .LBB2_44-.Ltmp37, $4  }
0x150: {  	s18 =	sadd.s32 $0x1, s18;
	s19 =	simm.s32 @!p0 $0x0  }
0x151: {  	_ =	swait.ge [sflag:s18], $0x4000;
	s19 =	sshll.u32 s19, $0x10  }
0x152: {  	p2 =	por $0x1, $0x1;
	[sflag:s18] =	ssyncset.done $0x0;
	s31 =	sshrl.u32 s19, $0x2  }
0x153: {  	[sflag:s18] =	ssyncadd.s32 $0xFFFFC000;
	s19 =	simm.s32 $0x0;
	s18 =	sadd.s32 $0x80, s31  }
.LBB2_59:
0x154: {  	s20 =	simm.s32 $0x8000;
	v5 =	vlaneseq.u32  }
.LBB2_64:
0x155: {  	_ =	sdelay $0x1  }
0x156: {  	s20 =	sadd.s32 @p2 $0x10, s20  }
0x157: {  	s21 =	smov.u32 @p2 s20;
	vm1 =	vgt.u32 v6, v2  }
0x158: {  	v4 =	vld [tilespmem:s21+$0x0];
	_ =	sdelay $0x3  }
0x159: {  	v6 =	vsel vm1, $0x10, v0  }
0x15a: {  	v3 =	vadd.s32 v3, v6;
	[tilespmem:v5+s12+$0x0] =	vst.idx.msk vm1, v4  }
.LBB2_65:
0x15b: {  	v4 =	vshrl.u32 v3, $0x4  }
0x15c: {  	(xrf0) =	vadd.scan.msk.s32 $0xffff, v4;
	_ =	sdelay $0x5  }
0x15d: {  	v4, _, _ =	vpop (xrf0)  }
0x15e: {  	(v2sf) =	vpush v4, $0xF;
	_ =	sdelay $0xe  }
0x15f: {  	s20 =	spop (v2sf)  }
0x160: {  	s20 =	ssub.s32 $0x100, s20  }
0x161: {  	vm1 =	vlt.s32 v2, $0x0;
	v4 =	vand.u32 $0x7FFFFFFF, v2;
	v2 =	vxor.u32 $0xFFFFFFFF, v2;
	[smem:$0x0] =	sst s20  }
0x162: {  	v2 =	vsel vm1, v4, v2;
	[smem:$0x80] =	sst s19  }
.LBB2_66:
.Ltmp38:
0x163: {  	(pc) =	sbr.rel @!p1 .LBB2_42-.Ltmp38, $2  }
0x164: {  	_ =	sdelay $0x2  }
0x165: {  	s19 =	simm.s32 $0x200;
	p2 =	por $0x0, $0x0  }
.LBB2_44:
0x166: {  	s19 =	sshll.u32 s19, $0x4  }
0x167: {  	s19 =	sand.u32 $0x3FFFFFF0, s19  }
0x168: {  	s19 =	sadd.s32 s19, s18  }
0x169: {  	v14 =	vld [tilespmem:s19+$0xFFFFFF80]  }
0x16a: {  	v8 =	vld [tilespmem:s19+$0xFFFFFF90]  }
0x16b: {  	v4 =	vld [tilespmem:s19+$0xFFFFFFA0]  }
0x16c: {  	v5 =	vld [tilespmem:s19+$0xFFFFFFB0]  }
0x16d: {  	v6 =	vld [tilespmem:s19+$0xFFFFFFC0]  }
0x16e: {  	v7 =	vld [tilespmem:s19+$0xFFFFFFD0];
	vm6 =	vgt.f32 v14, v2  }
0x16f: {  	v9 =	vld [tilespmem:s19+$0xFFFFFFE0];
	vm1 =	vgt.f32 v8, v2;
	v10 =	vsel vm6, $0x10, v0  }
0x170: {  	vm2 =	vgt.f32 v4, v2;
	v11 =	vsel vm1, $0x10, v0;
	v15 =	vadd.s32 v3, v10;
	v10 =	vld [tilespmem:s19+$0xFFFFFFF0]  }
0x171: {  	vm3 =	vgt.f32 v5, v2;
	v12 =	vsel vm2, $0x10, v0;
	v16 =	vadd.s32 v15, v11;
	v11 =	vld [tilespmem:s19+$0x0]  }
0x172: {  	vm4 =	vgt.f32 v6, v2;
	v13 =	vsel vm3, $0x10, v0;
	v17 =	vadd.s32 v16, v12;
	v12 =	vld [tilespmem:s19+$0x10]  }
0x173: {  	vm5 =	vgt.f32 v7, v2;
	v19 =	vsel vm4, $0x10, v0;
	v18 =	vadd.s32 v17, v13;
	v13 =	vld [tilespmem:s19+$0x20]  }
0x174: {  	p1 =	por p2, p2;
	s20 =	simm.s32 $0x0;
	[tilespmem:v3+s12+$0x0] =	vst.idx.msk vm6, v14;
	v19 =	vadd.s32 v18, v19;
	v3 =	vsel vm5, $0x10, v0;
	vm6 =	vgt.f32 v9, v2;
	v14 =	vld [tilespmem:s19+$0x30]  }
.LBB2_45:
0x175: {  	s20 =	sadd.s32 $0x10, s20;
	[tilespmem:v15+s12+$0x0] =	vst.idx.msk vm1, v8;
	v3 =	vadd.s32 v19, v3;
	v8 =	vsel vm6, $0x10, v0;
	vm1 =	vgt.f32 v10, v2;
	v20 =	vld [tilespmem:s19+$0x40]  }
0x176: {  	p2 =	slt.u32 s20, $0x1F0;
	[tilespmem:v16+s12+$0x0] =	vst.idx.msk vm2, v4;
	v15 =	vadd.s32 v3, v8;
	v4 =	vsel vm1, $0x10, v0;
	vm7 =	vgt.f32 v11, v2;
	v21 =	vld [tilespmem:s19+$0x50]  }
0x177: {  	[tilespmem:v17+s12+$0x0] =	vst.idx.msk vm3, v5;
	v16 =	vadd.s32 v15, v4;
	v4 =	vsel vm7, $0x10, v0;
	vm8 =	vgt.f32 v12, v2;
	v22 =	vld [tilespmem:s19+$0x60]  }
0x178: {  	[tilespmem:v18+s12+$0x0] =	vst.idx.msk vm4, v6;
	v17 =	vadd.s32 v16, v4;
	v4 =	vsel vm8, $0x10, v0;
	vm2 =	vgt.f32 v13, v2;
	v23 =	vld [tilespmem:s19+$0x70];
	s19 =	sadd.s32 $0x100, s19  }
0x179: {  	v24 =	vld [tilespmem:s19+$0xFFFFFF80];
	[tilespmem:v19+s12+$0x0] =	vst.idx.msk vm5, v7;
	v18 =	vadd.s32 v17, v4;
	v4 =	vsel vm2, $0x10, v0;
	vm9 =	vgt.f32 v14, v2  }
0x17a: {  	v8 =	vld [tilespmem:s19+$0xFFFFFF90];
	[tilespmem:v3+s12+$0x0] =	vst.idx.msk vm6, v9;
	v3 =	vadd.s32 v18, v4;
	v5 =	vsel vm9, $0x10, v0;
	vm3 =	vgt.f32 v20, v2  }
0x17b: {  	v4 =	vld [tilespmem:s19+$0xFFFFFFA0];
	[tilespmem:v15+s12+$0x0] =	vst.idx.msk vm1, v10;
	v19 =	vadd.s32 v3, v5;
	v6 =	vsel vm3, $0x10, v0;
	vm4 =	vgt.f32 v21, v2  }
0x17c: {  	v5 =	vld [tilespmem:s19+$0xFFFFFFB0];
	[tilespmem:v16+s12+$0x0] =	vst.idx.msk vm7, v11;
	v25 =	vadd.s32 v19, v6;
	v7 =	vsel vm4, $0x10, v0;
	vm5 =	vgt.f32 v22, v2  }
0x17d: {  	v6 =	vld [tilespmem:s19+$0xFFFFFFC0];
	[tilespmem:v17+s12+$0x0] =	vst.idx.msk vm8, v12;
	v26 =	vadd.s32 v25, v7;
	v9 =	vsel vm5, $0x10, v0;
	vm7 =	vgt.f32 v23, v2  }
0x17e: {  	vm6 =	vgt.f32 v24, v2;
	v7 =	vld [tilespmem:s19+$0xFFFFFFD0];
	[tilespmem:v18+s12+$0x0] =	vst.idx.msk vm2, v13;
	v27 =	vadd.s32 v26, v9;
	v10 =	vsel vm7, $0x10, v0  }
0x17f: {  	v11 =	vsel vm6, $0x10, v0;
	vm1 =	vgt.f32 v8, v2;
	v9 =	vld [tilespmem:s19+$0xFFFFFFE0];
	[tilespmem:v3+s12+$0x0] =	vst.idx.msk vm9, v14;
	v3 =	vadd.s32 v27, v10  }
.Ltmp39:
0x180: {  	v15 =	vadd.s32 v3, v11;
	v11 =	vsel vm1, $0x10, v0;
	vm2 =	vgt.f32 v4, v2;
	v10 =	vld [tilespmem:s19+$0xFFFFFFF0];
	[tilespmem:v19+s12+$0x0] =	vst.idx.msk vm3, v20;
	(pc) =	sbr.rel @p2 .LBB2_45-.Ltmp39, $4  }
0x181: {  	v16 =	vadd.s32 v15, v11;
	v12 =	vsel vm2, $0x10, v0;
	vm3 =	vgt.f32 v5, v2;
	v11 =	vld [tilespmem:s19+$0x0];
	[tilespmem:v25+s12+$0x0] =	vst.idx.msk vm4, v21  }
0x182: {  	v17 =	vadd.s32 v16, v12;
	v13 =	vsel vm3, $0x10, v0;
	vm4 =	vgt.f32 v6, v2;
	v12 =	vld [tilespmem:s19+$0x10];
	[tilespmem:v26+s12+$0x0] =	vst.idx.msk vm5, v22  }
0x183: {  	v18 =	vadd.s32 v17, v13;
	v14 =	vsel vm4, $0x10, v0;
	vm5 =	vgt.f32 v7, v2;
	v13 =	vld [tilespmem:s19+$0x20];
	[tilespmem:v27+s12+$0x0] =	vst.idx.msk vm7, v23  }
0x184: {  	[tilespmem:v3+s12+$0x0] =	vst.idx.msk vm6, v24;
	v19 =	vadd.s32 v18, v14;
	v3 =	vsel vm5, $0x10, v0;
	vm6 =	vgt.f32 v9, v2;
	v14 =	vld [tilespmem:s19+$0x30]  }
0x185: {  	v20 =	vadd.s32 v19, v3;
	v3 =	vsel vm6, $0x10, v0;
	vm7 =	vgt.f32 v10, v2;
	v21 =	vld [tilespmem:s19+$0x40]  }
0x186: {  	v23 =	vld [tilespmem:s19+$0x50];
	v22 =	vadd.s32 v20, v3;
	v3 =	vsel vm7, $0x10, v0;
	vm8 =	vgt.f32 v11, v2  }
0x187: {  	v25 =	vld [tilespmem:s19+$0x60];
	v24 =	vadd.s32 v22, v3;
	v3 =	vsel vm8, $0x10, v0;
	vm9 =	vgt.f32 v12, v2  }
0x188: {  	v27 =	vld [tilespmem:s19+$0x70];
	v26 =	vadd.s32 v24, v3;
	v3 =	vsel vm9, $0x10, v0;
	vm10 =	vgt.f32 v13, v2  }
0x189: {  	v28 =	vadd.s32 v26, v3;
	v3 =	vsel vm10, $0x10, v0;
	vm11 =	vgt.f32 v14, v2  }
0x18a: {  	v29 =	vadd.s32 v28, v3;
	v3 =	vsel vm11, $0x10, v0;
	vm12 =	vgt.f32 v21, v2  }
0x18b: {  	vm13 =	vgt.f32 v23, v2;
	v30 =	vadd.s32 v29, v3;
	v3 =	vsel vm12, $0x10, v0  }
0x18c: {  	vm14 =	vgt.f32 v25, v2;
	v31 =	vadd.s32 v30, v3;
	v3 =	vsel vm13, $0x10, v0  }
0x18d: {  	vm15 =	vgt.f32 v27, v2;
	v32 =	vadd.s32 v31, v3;
	v3 =	vsel vm14, $0x10, v0  }
0x18e: {  	v33 =	vadd.s32 v32, v3;
	v3 =	vsel vm15, $0x10, v0  }
0x18f: {  	v3 =	vadd.s32 v33, v3  }
0x190: {  	v34 =	vxor.u32 $0x80000000, v3  }
0x191: {  	(xrf0) =	vmax.scan.msk.u32 $0xffff, v34;
	_ =	sdelay $0x5  }
0x192: {  	v34, _, _ =	vpop (xrf0)  }
0x193: {  	(v2sf) =	vpush v34, $0xF;
	_ =	sdelay $0x6  }
0x194: {  	[tilespmem:v15+s12+$0x0] =	vst.idx.msk vm1, v8  }
0x195: {  	[tilespmem:v16+s12+$0x0] =	vst.idx.msk vm2, v4  }
0x196: {  	[tilespmem:v17+s12+$0x0] =	vst.idx.msk vm3, v5  }
0x197: {  	[tilespmem:v18+s12+$0x0] =	vst.idx.msk vm4, v6  }
0x198: {  	[tilespmem:v19+s12+$0x0] =	vst.idx.msk vm5, v7  }
0x199: {  	[tilespmem:v20+s12+$0x0] =	vst.idx.msk vm6, v9  }
0x19a: {  	[tilespmem:v22+s12+$0x0] =	vst.idx.msk vm7, v10  }
0x19b: {  	[tilespmem:v24+s12+$0x0] =	vst.idx.msk vm8, v11  }
0x19c: {  	[tilespmem:v26+s12+$0x0] =	vst.idx.msk vm9, v12;
	s31 =	spop (v2sf)  }
0x19d: {  	[tilespmem:v28+s12+$0x0] =	vst.idx.msk vm10, v13;
	p2 =	slt.u32 s31, $0x80001001  }
.Ltmp40:
0x19e: {  	[tilespmem:v29+s12+$0x0] =	vst.idx.msk vm11, v14;
	(pc) =	sbr.rel @p2 .LBB2_66-.Ltmp40, $4  }
0x19f: {  	[tilespmem:v30+s12+$0x0] =	vst.idx.msk vm12, v21  }
0x1a0: {  	[tilespmem:v31+s12+$0x0] =	vst.idx.msk vm13, v23  }
0x1a1: {  	[tilespmem:v32+s12+$0x0] =	vst.idx.msk vm14, v25  }
0x1a2: {  	[tilespmem:v33+s12+$0x0] =	vst.idx.msk vm15, v27  }
0x1a3: {  	v2 =	vshrl.u32 v3, $0x4  }
0x1a4: {  	v3 =	vor.u32 $0x80000000, v2  }
0x1a5: {  	(xrf0) =	vmax.scan.msk.u32 $0xffff, v3;
	_ =	sdelay $0x5  }
0x1a6: {  	v3, _, _ =	vpop (xrf0)  }
0x1a7: {  	(v2sf) =	vpush v3, $0xF;
	_ =	sdelay $0xe  }
0x1a8: {  	s19 =	spop (v2sf)  }
0x1a9: {  	s20 =	sxor.u32 $0x80000000, s19  }
0x1aa: {  	p2 =	slt.s32 s20, $0x1  }
.Ltmp41:
0x1ab: {  	_ = 	snop;
	(pc) =	sbr.rel @p2 .LBB2_50-.Ltmp41, $1  }
0x1ac: {  	_ =	sdelay $0x3  }
0x1ad: {  	s19 =	simm.s32 $0x8000  }
0x1ae: {  	v3 =	vld [tilespmem:s19+$0x0];
	_ =	sdelay $0x2  }
0x1af: {  	s31 =	simm.s32 $0x0;
	p3 =	sne.s32 s20, $0x1  }
.Ltmp42:
0x1b0: {  	v4 =	vmov s31;
	(pc) =	sbr.rel @!p3 .LBB2_50-.Ltmp42, $4  }
0x1b1: {  	vm1 =	vlt.s32 v3, $0x0;
	v5 =	vxor.u32 $0xFFFFFFFF, v3;
	v3 =	vor.u32 $0x80000000, v3  }
0x1b2: {  	vm2 =	vlt.u32 v4, v2;
	v3 =	vsel vm1, v5, v3  }
0x1b3: {  	s19 =	simm.s32 $0xB000;
	v3 =	vnsel vm2, $0x0, v3  }
0x1b4: {  	s21 =	simm.s32 $0x1;
	s22 =	simm.s32 $0x8010;
	[tilespmem:s19+$0x0] =	vst v3  }
.LBB2_49:
0x1b5: {  	v3 =	vld [tilespmem:s22+$0x0];
	s23 =	smov.u32 s21;
	s21 =	sadd.s32 $0x1, s21  }
0x1b6: {  	p3 =	sne.s32 s20, s21;
	_ =	sdelay $0x2  }
.Ltmp43:
0x1b7: {  	v4 =	vmov s23;
	(pc) =	sbr.rel @p3 .LBB2_49-.Ltmp43, $4  }
0x1b8: {  	vm1 =	vlt.s32 v3, $0x0;
	v5 =	vxor.u32 $0xFFFFFFFF, v3;
	v3 =	vor.u32 $0x80000000, v3  }
0x1b9: {  	vm2 =	vlt.u32 v4, v2;
	v3 =	vsel vm1, v5, v3  }
0x1ba: {  	s19 =	sadd.s32 $0x10, s19;
	v3 =	vnsel vm2, $0x0, v3  }
0x1bb: {  	s22 =	sadd.s32 $0x10, s22;
	[tilespmem:s19+$0x0] =	vst v3  }
.LBB2_50:
.Ltmp44:
0x1bc: {  	(pc) =	sbr.rel .LBB2_51-.Ltmp44, $3  }
0x1bd: {  	_ =	sdelay $0x1  }
0x1be: {  	s21 =	sld [smem:$0x0]  }
0x1bf: {  	s19 =	simm.s32 $0x0;
	s22 =	sld [smem:$0x80];
	s23 =	simm.s32 $0x0  }
.LBB2_52:
0x1c0: {  	v2 =	vimm.s32 $0x0  }
.LBB2_56:
0x1c1: {  	(xrf0) =	vadd.scan.msk.s32 $0xffff, v2;
	_ =	sdelay $0x5  }
0x1c2: {  	v2, _, _ =	vpop (xrf0)  }
0x1c3: {  	(v2sf) =	vpush v2, $0xF;
	_ =	sdelay $0xb  }
0x1c4: {  	s23 =	sadd.s32 $0x1, s23  }
0x1c5: {  	p4 =	sne.s32 s23, $0x20  }
.Ltmp45:
0x1c6: {  	s25 =	smov.u32 s21;
	p3 =	slt.u32 s22, s24;
	(pc) =	sbr.rel @!p4 .LBB2_57-.Ltmp45, $4  }
0x1c7: {  	s25 =	simm.s32 @p3 $0x0;
	s26 =	spop (v2sf)  }
0x1c8: {  	s25 =	sadd.s32 s25, s26  }
0x1c9: {  	p3 =	sgt.s32 s25, $0xFF  }
0x1ca: {  	s19 =	smov.u32 @p3 s24  }
.LBB2_51:
.Ltmp46:
0x1cb: {  	(pc) =	sbr.rel @p2 .LBB2_52-.Ltmp46, $3  }
0x1cc: {  	_ =	sdelay $0x1  }
0x1cd: {  	s24 =	sshrl.u32 s13, s23  }
0x1ce: {  	s24 =	sor.u32 s24, s19  }
0x1cf: {  	s25 =	simm.s32 $0xB000  }
0x1d0: {  	p3 =	sne.s32 s20, $0x1;
	v4 =	vld [tilespmem:s25+$0x0]  }
.Ltmp47:
0x1d1: {  	_ = 	snop;
	(pc) =	sbr.rel @!p3 .LBB2_55-.Ltmp47, $3  }
0x1d2: {  	_ =	sdelay $0x1  }
0x1d3: {  	v3 =	vmov s24  }
0x1d4: {  	v2 =	vimm.s32 $0x0;
	s26 =	simm.s32 $0xB010;
	s25 =	sadd.s32 $0xFFFFFFFF, s20;
	vm1 =	vge.u32 v4, v3  }
.LBB2_54:
0x1d5: {  	v4 =	vld [tilespmem:s26+$0x0];
	p3 =	sne.s32 s25, $0x1;
	s25 =	sadd.s32 $0xFFFFFFFF, s25;
	v5 =	vsel vm1, $0x1, v0  }
.Ltmp48:
0x1d6: {  	v2 =	vadd.s32 v5, v2;
	(pc) =	sbr.rel @p3 .LBB2_54-.Ltmp48, $2  }
0x1d7: {  	_ =	sdelay $0x2  }
0x1d8: {  	s26 =	sadd.s32 $0x10, s26;
	vm1 =	vge.u32 v4, v3  }
.LBB2_55:
.Ltmp49:
0x1d9: {  	(pc) =	sbr.rel .LBB2_56-.Ltmp49, $3  }
0x1da: {  	_ =	sdelay $0x1  }
0x1db: {  	v3 =	vsel vm1, $0x1, v0  }
0x1dc: {  	v2 =	vadd.s32 v3, v2  }
.LBB2_57:
.Ltmp50:
0x1dd: {  	(pc) =	sbr.rel @p2 .LBB2_65-.Ltmp50, $2  }
0x1de: {  	_ =	sdelay $0x2  }
0x1df: {  	v2 =	vmov s19;
	v3 =	vlaneseq.u32  }
0x1e0: {  	p3 =	sne.s32 s20, $0x1  }
.Ltmp51:
0x1e1: {  	_ = 	snop;
	(pc) =	sbr.rel @!p3 .LBB2_59-.Ltmp51, $4  }
0x1e2: {  	_ = 	snop  }
0x1e3: {  	s22 =	simm.s32 $0xB000  }
0x1e4: {  	v6 =	vld [tilespmem:s22+$0x0]  }
0x1e5: {  	s21 =	simm.s32 $0x8000;
	s20 =	sadd.s32 $0xFFFFFFFF, s20;
	p2 =	por $0x0, $0x0  }
0x1e6: {  	_ =	sdelay $0x2  }
0x1e7: {  	vm1 =	vgt.u32 v6, v2  }
0x1e8: {  	v5 =	vld [tilespmem:s21+$0x0];
	_ =	sdelay $0x1  }
0x1e9: {  	p3 =	sne.s32 s20, $0x1  }
.Ltmp52:
0x1ea: {  	_ = 	snop;
	(pc) =	sbr.rel @!p3 .LBB2_61-.Ltmp52, $4  }
0x1eb: {  	_ = 	snop  }
0x1ec: {  	s22 =	simm.s32 $0xB010;
	v4 =	vsel vm1, $0x10, v0;
	[tilespmem:v3+s12+$0x0] =	vst.idx.msk vm1, v5  }
0x1ed: {  	v4 =	vadd.s32 v3, v4;
	v6 =	vld [tilespmem:s22+$0x0]  }
0x1ee: {  	s23 =	sadd.s32 $0xFFFFFFFF, s20;
	p2 =	por $0x1, $0x1;
	s20 =	simm.s32 $0x8000;
	v5 =	vmov v4  }
.LBB2_62:
0x1ef: {  	p3 =	sne.s32 s23, $0x1;
	_ =	sdelay $0x3  }
0x1f0: {  	s20 =	sadd.s32 $0x10, s20;
	vm1 =	vgt.u32 v6, v2  }
0x1f1: {  	v3 =	vld [tilespmem:s20+$0x0];
	v6 =	vsel vm1, $0x10, v0  }
0x1f2: {  	v4 =	vadd.s32 v4, v6  }
.Ltmp53:
0x1f3: {  	(pc) =	sbr.rel @p3 .LBB2_62-.Ltmp53, $3  }
0x1f4: {  	_ =	sdelay $0x1  }
0x1f5: {  	s22 =	sadd.s32 $0x10, s22;
	[tilespmem:v5+s12+$0x0] =	vst.idx.msk vm1, v3;
	v5 =	vmov v4  }
0x1f6: {  	s23 =	sadd.s32 $0xFFFFFFFF, s23;
	v6 =	vld [tilespmem:s22+$0x0]  }
.Ltmp54:
0x1f7: {  	(pc) =	sbr.rel .LBB2_64-.Ltmp54, $2  }
0x1f8: {  	_ =	sdelay $0x2  }
0x1f9: {  	v3 =	vmov v4  }
.LBB2_61:
.Ltmp55:
0x1fa: {  	(pc) =	sbr.rel .LBB2_64-.Ltmp55, $2  }
0x1fb: {  	_ =	sdelay $0x2  }
0x1fc: {  	s20 =	simm.s32 $0x8000;
	v3 =	vmov v4;
	v5 =	vmov v4  }
.LBB2_67:
0x1fd: {  	v2 =	vshrl.u32 v3, $0x4  }
0x1fe: {  	v3 =	vor.u32 $0x80000000, v2  }
0x1ff: {  	(xrf0) =	vmax.scan.msk.u32 $0xffff, v3;
	_ =	sdelay $0x5  }
0x200: {  	v3, _, _ =	vpop (xrf0)  }
0x201: {  	(v2sf) =	vpush v3, $0xF;
	_ =	sdelay $0xe  }
0x202: {  	s17 =	spop (v2sf)  }
0x203: {  	s17 =	sxor.u32 $0x80000000, s17  }
0x204: {  	p0 =	slt.s32 s17, $0x1  }
.Ltmp56:
0x205: {  	_ = 	snop;
	(pc) =	sbr.rel @p0 .LBB2_70-.Ltmp56, $1  }
0x206: {  	_ =	sdelay $0x3  }
0x207: {  	s18 =	simm.s32 $0x8000  }
0x208: {  	v3 =	vld [tilespmem:s18+$0x0];
	_ =	sdelay $0x2  }
0x209: {  	s31 =	simm.s32 $0x0;
	p1 =	sne.s32 s17, $0x1  }
.Ltmp57:
0x20a: {  	v4 =	vmov s31;
	(pc) =	sbr.rel @!p1 .LBB2_70-.Ltmp57, $4  }
0x20b: {  	vm1 =	vlt.s32 v3, $0x0;
	v5 =	vxor.u32 $0xFFFFFFFF, v3;
	v3 =	vor.u32 $0x80000000, v3  }
0x20c: {  	vm2 =	vlt.u32 v4, v2;
	v3 =	vsel vm1, v5, v3  }
0x20d: {  	s18 =	simm.s32 $0xB000;
	v3 =	vnsel vm2, $0x0, v3  }
0x20e: {  	s19 =	simm.s32 $0x1;
	s20 =	simm.s32 $0x8010;
	[tilespmem:s18+$0x0] =	vst v3  }
.LBB2_69:
0x20f: {  	v3 =	vld [tilespmem:s20+$0x0];
	s21 =	smov.u32 s19;
	s19 =	sadd.s32 $0x1, s19  }
0x210: {  	p1 =	sne.s32 s17, s19;
	_ =	sdelay $0x2  }
.Ltmp58:
0x211: {  	v4 =	vmov s21;
	(pc) =	sbr.rel @p1 .LBB2_69-.Ltmp58, $4  }
0x212: {  	vm1 =	vlt.s32 v3, $0x0;
	v5 =	vxor.u32 $0xFFFFFFFF, v3;
	v3 =	vor.u32 $0x80000000, v3  }
0x213: {  	vm2 =	vlt.u32 v4, v2;
	v3 =	vsel vm1, v5, v3  }
0x214: {  	s18 =	sadd.s32 $0x10, s18;
	v3 =	vnsel vm2, $0x0, v3  }
0x215: {  	s20 =	sadd.s32 $0x10, s20;
	[tilespmem:s18+$0x0] =	vst v3  }
.LBB2_70:
.Ltmp59:
0x216: {  	(pc) =	sbr.rel .LBB2_71-.Ltmp59, $3  }
0x217: {  	_ =	sdelay $0x1  }
0x218: {  	s19 =	sld [smem:$0x0]  }
0x219: {  	s18 =	simm.s32 $0x0;
	s20 =	sld [smem:$0x80];
	s21 =	simm.s32 $0x0  }
.LBB2_72:
0x21a: {  	v2 =	vimm.s32 $0x0  }
.LBB2_76:
0x21b: {  	(xrf0) =	vadd.scan.msk.s32 $0xffff, v2;
	_ =	sdelay $0x5  }
0x21c: {  	v2, _, _ =	vpop (xrf0)  }
0x21d: {  	(v2sf) =	vpush v2, $0xF;
	_ =	sdelay $0xb  }
0x21e: {  	s21 =	sadd.s32 $0x1, s21  }
0x21f: {  	p2 =	sne.s32 s21, $0x20  }
.Ltmp60:
0x220: {  	s23 =	smov.u32 s19;
	p1 =	slt.u32 s20, s22;
	(pc) =	sbr.rel @!p2 .LBB2_77-.Ltmp60, $4  }
0x221: {  	s23 =	simm.s32 @p1 $0x0;
	s24 =	spop (v2sf)  }
0x222: {  	s23 =	sadd.s32 s23, s24  }
0x223: {  	p1 =	sgt.s32 s23, $0xFF  }
0x224: {  	s18 =	smov.u32 @p1 s22  }
.LBB2_71:
.Ltmp61:
0x225: {  	(pc) =	sbr.rel @p0 .LBB2_72-.Ltmp61, $3  }
0x226: {  	_ =	sdelay $0x1  }
0x227: {  	s22 =	sshrl.u32 s13, s21  }
0x228: {  	s22 =	sor.u32 s22, s18  }
0x229: {  	s23 =	simm.s32 $0xB000  }
0x22a: {  	p1 =	sne.s32 s17, $0x1;
	v4 =	vld [tilespmem:s23+$0x0]  }
.Ltmp62:
0x22b: {  	_ = 	snop;
	(pc) =	sbr.rel @!p1 .LBB2_75-.Ltmp62, $3  }
0x22c: {  	_ =	sdelay $0x1  }
0x22d: {  	v3 =	vmov s22  }
0x22e: {  	v2 =	vimm.s32 $0x0;
	s24 =	simm.s32 $0xB010;
	s23 =	sadd.s32 $0xFFFFFFFF, s17;
	vm1 =	vge.u32 v4, v3  }
.LBB2_74:
0x22f: {  	v4 =	vld [tilespmem:s24+$0x0];
	p1 =	sne.s32 s23, $0x1;
	s23 =	sadd.s32 $0xFFFFFFFF, s23;
	v5 =	vsel vm1, $0x1, v0  }
.Ltmp63:
0x230: {  	v2 =	vadd.s32 v5, v2;
	(pc) =	sbr.rel @p1 .LBB2_74-.Ltmp63, $2  }
0x231: {  	_ =	sdelay $0x2  }
0x232: {  	s24 =	sadd.s32 $0x10, s24;
	vm1 =	vge.u32 v4, v3  }
.LBB2_75:
.Ltmp64:
0x233: {  	(pc) =	sbr.rel .LBB2_76-.Ltmp64, $3  }
0x234: {  	_ =	sdelay $0x1  }
0x235: {  	v3 =	vsel vm1, $0x1, v0  }
0x236: {  	v2 =	vadd.s32 v3, v2  }
.LBB2_77:
0x237: {  	v4 =	vmov s18  }
0x238: {  	vm1 =	vlt.s32 v4, $0x0;
	v2 =	vand.u32 $0x7FFFFFFF, v4;
	v3 =	vxor.u32 $0xFFFFFFFF, v4  }
0x239: {  	v2 =	vsel vm1, v2, v3  }
0x23a: {  	(xrf0) =	vmax.scan.msk.f32 $0xffff, v2;
	_ =	sdelay $0x5  }
0x23b: {  	v2, _, _ =	vpop (xrf0)  }
0x23c: {  	(v2sf) =	vpush v2, $0xF;
	_ =	sdelay $0xa  }
.Ltmp65:
0x23d: {  	_ = 	snop;
	(pc) =	sbr.rel @p0 .LBB2_81-.Ltmp65, $2  }
0x23e: {  	_ =	sdelay $0x2  }
0x23f: {  	v3 =	vimm.f32 $0.0e+00;
	v2 =	vimm.s32 $0x0;
	s18 =	spop (v2sf)  }
0x240: {  	s19 =	simm.s32 $0xB000  }
0x241: {  	p0 =	sne.s32 s17, $0x1;
	v6 =	vld [tilespmem:s19+$0x0];
	s19 =	simm.s32 $0x8000  }
.Ltmp66:
0x242: {  	v5 =	vld [tilespmem:s19+$0x0];
	(pc) =	sbr.rel @!p0 .LBB2_80-.Ltmp66, $2  }
0x243: {  	_ =	sdelay $0x2  }
0x244: {  	s17 =	sadd.s32 $0xFFFFFFFF, s17;
	s20 =	simm.s32 $0xB010;
	vm1 =	vgt.u32 v6, v4  }
.LBB2_79:
0x245: {  	v6 =	vld [tilespmem:s20+$0x0];
	p0 =	sne.s32 s17, $0x1;
	s17 =	sadd.s32 $0xFFFFFFFF, s17;
	v7 =	vsel vm1, $0x1, v0;
	v8 =	vnsel vm1, $0x0, v5;
	s19 =	sadd.s32 $0x10, s19  }
.Ltmp67:
0x246: {  	v5 =	vld [tilespmem:s19+$0x0];
	v2 =	vadd.s32 v7, v2;
	v3 =	vadd.f32 v8, v3;
	(pc) =	sbr.rel @p0 .LBB2_79-.Ltmp67, $2  }
0x247: {  	_ =	sdelay $0x2  }
0x248: {  	s20 =	sadd.s32 $0x10, s20;
	vm1 =	vgt.u32 v6, v4  }
.Ltmp68:
0x249: {  	_ = 	snop;
	(pc) =	sbr.rel .LBB2_80-.Ltmp68, $1  }
0x24a: {  	_ =	sdelay $0x3  }
.LBB2_82:
0x24b: {  	_ =	sfence.sel $0x180000  }
0x24c: {  	[bflag:$0x0] =	sbarrier.arrive $0xFFFF  }
0x24d: {  	p0 =	sne.s32 s1, $0x0;
	_ =	strace $0x90000047  }
0x24e: {  	s0 =	sadd.s32 @!p0 $0x100000, s0;
	[bflag:$0x2] =	sbarrier.arrive $0xFFFF  }
0x24f: {  	[sflag:s0] =	ssyncadd.tile.s32 @!p0 $0x1;
	_ =	shalt  }
.Lfunc_end2:
_tile_overlayer_lowered:
.L_overlay_start_2:
0x250: {  	(tag) =	ssettag $0x2  }
0x251: {  	s0 =	rddreg [dreg:$0x0];
	s2 =	stileid.u32  }
0x252: {  	s1 =	rddreg [dreg:$0x1];
	p0 =	sne.s32 s2, $0x0  }
0x253: {  	s3 =	rddreg [dreg:$0x2];
	[bflag:$0x3] =	sbarrier.arrive $0xFFFF;
	s2 =	simm.s32 @!p0 $0x1C03  }
0x254: {  	[timem:s3], [sflag:s2] =	dma.local @!p0 [hbm:s0], s1  }
0x255: {  	s0 =	simm.s32 @!p0 $0x3  }
0x256: {  	_ =	swait.ge @!p0 [sflag:s0], s1  }
0x257: {  	s1 =	ssub.s32 @!p0 $0x0, s1;
	[sflag:s0] =	ssyncset.done @!p0 $0x0  }
0x258: {  	[sflag:s0] =	ssyncadd.s32 @!p0 s1  }
0x259: {  	[bflag:$0x3] =	sbarrier.arrive $0xFFFF  }
0x25a: {  	_ =	shalt  }

</sc_bundles>
